<compile_context>
chip_gen: v7x
topology: tpu7x:2x2x1
jax: 0.10.2.dev20260603
libtpu: 0.0.44.dev20260713+nightly
codegen_flags: <defaults>
</compile_context>

<pallas_src>
import functools

import jax
import jax.numpy as jnp
from jax import lax
from jax.experimental import pallas as pl
from jax.experimental.pallas import tpu as pltpu
from jax.experimental.pallas import tpu_sc as plsc

N = 10000
E = 320000
D = 128
NC, NS = 2, 16
NB, K = 40, 250
NBC = 5
STRIPE = N // NS
CW = 16
ZR = 25

f32 = jnp.float32
bf16 = jnp.bfloat16

_MESH = plsc.VectorSubcoreMesh(core_axis_name="c", subcore_axis_name="s")
_SC_PARAMS = pltpu.CompilerParams(use_tc_tiling_on_sc=False)


def _zero_vmem_2d(ref, rows, cols):
    step = 32 if ref.dtype == bf16 else 16
    @pl.loop(0, rows)
    def _(r):
        @pl.loop(0, cols, step=step)
        def _(col):
            ref[r, pl.ds(col, step)] = jnp.zeros((step,), ref.dtype)


@functools.partial(
    pl.kernel,
    out_type=(
        jax.ShapeDtypeStruct((NC, N, D), bf16),
        jax.ShapeDtypeStruct((NC, N, CW), f32),
    ),
    mesh=_MESH,
    scratch_types=[
        pltpu.VMEM_SHARED((N, D), bf16),
        pltpu.VMEM_SHARED((N, CW), f32),
        pltpu.VMEM((NBC, K), jnp.int32),
        pltpu.VMEM((NBC, K), jnp.int32),
        pltpu.VMEM((K, D), bf16),
        pltpu.VMEM((K, D), bf16),
        pltpu.VMEM((ZR, D), bf16),
        pltpu.VMEM((ZR, CW), f32),
        pltpu.VMEM((K, CW), f32),
        pltpu.SemaphoreType.DMA,
        pltpu.SemaphoreType.DMA,
    ],
    compiler_params=_SC_PARAMS,
)
def _sc_agg_counts(x_hbm, src_hbm, dst_hbm, out_hbm, cnt_hbm,
                   acc, cacc, srcv, dstv, rows_a, rows_b, zbuf, zcnt, ones,
                   sem_a, sem_b):
    c = lax.axis_index("c")
    s = lax.axis_index("s")
    _zero_vmem_2d(zbuf, ZR, D)
    _zero_vmem_2d(zcnt, ZR, CW)

    @pl.loop(0, K)
    def _(r):
        ones[r, :] = jnp.ones((CW,), f32)

    row0 = s * STRIPE
    @pl.loop(0, STRIPE // ZR)
    def _(i):
        pltpu.sync_copy(zbuf, acc.at[pl.ds(row0 + i * ZR, ZR)])
        pltpu.sync_copy(zcnt, cacc.at[pl.ds(row0 + i * ZR, ZR)])
    plsc.subcore_barrier()

    bufs = (rows_a, rows_b)
    sems = (sem_a, sem_b)

    @pl.loop(0, NB // NBC)
    def _(g):
        pltpu.sync_copy(src_hbm.at[c, s, pl.ds(g * NBC, NBC)], srcv)
        pltpu.sync_copy(dst_hbm.at[c, s, pl.ds(g * NBC, NBC)], dstv)
        pltpu.async_copy(x_hbm.at[srcv.at[0]], bufs[0], sems[0])
        for b in range(NBC):
            if b + 1 < NBC:
                pltpu.async_copy(x_hbm.at[srcv.at[b + 1]],
                                 bufs[(b + 1) % 2], sems[(b + 1) % 2])
            pltpu.make_async_copy(x_hbm.at[srcv.at[b]],
                                  bufs[b % 2], sems[b % 2]).wait()
            pltpu.sync_copy(bufs[b % 2], acc.at[dstv.at[b]], add=True)
            pltpu.sync_copy(ones, cacc.at[dstv.at[b]], add=True)

    plsc.subcore_barrier()
    pltpu.sync_copy(acc.at[pl.ds(row0, STRIPE)],
                    out_hbm.at[c, pl.ds(row0, STRIPE)])
    pltpu.sync_copy(cacc.at[pl.ds(row0, STRIPE)],
                    cnt_hbm.at[c, pl.ds(row0, STRIPE)])


@functools.partial(
    pl.kernel,
    out_type=jax.ShapeDtypeStruct((NC, N, D), bf16),
    mesh=_MESH,
    scratch_types=[
        pltpu.VMEM_SHARED((N, D), bf16),
        pltpu.VMEM((NBC, K), jnp.int32),
        pltpu.VMEM((NBC, K), jnp.int32),
        pltpu.VMEM((K, D), bf16),
        pltpu.VMEM((K, D), bf16),
        pltpu.VMEM((ZR, D), bf16),
        pltpu.SemaphoreType.DMA,
        pltpu.SemaphoreType.DMA,
    ],
    compiler_params=_SC_PARAMS,
)
def _sc_agg(x_hbm, src_hbm, dst_hbm, out_hbm,
            acc, srcv, dstv, rows_a, rows_b, zbuf, sem_a, sem_b):
    c = lax.axis_index("c")
    s = lax.axis_index("s")
    _zero_vmem_2d(zbuf, ZR, D)

    row0 = s * STRIPE
    @pl.loop(0, STRIPE // ZR)
    def _(i):
        pltpu.sync_copy(zbuf, acc.at[pl.ds(row0 + i * ZR, ZR)])
    plsc.subcore_barrier()

    bufs = (rows_a, rows_b)
    sems = (sem_a, sem_b)

    @pl.loop(0, NB // NBC)
    def _(g):
        pltpu.sync_copy(src_hbm.at[c, s, pl.ds(g * NBC, NBC)], srcv)
        pltpu.sync_copy(dst_hbm.at[c, s, pl.ds(g * NBC, NBC)], dstv)
        pltpu.async_copy(x_hbm.at[srcv.at[0]], bufs[0], sems[0])
        for b in range(NBC):
            if b + 1 < NBC:
                pltpu.async_copy(x_hbm.at[srcv.at[b + 1]],
                                 bufs[(b + 1) % 2], sems[(b + 1) % 2])
            pltpu.make_async_copy(x_hbm.at[srcv.at[b]],
                                  bufs[b % 2], sems[b % 2]).wait()
            pltpu.sync_copy(bufs[b % 2], acc.at[dstv.at[b]], add=True)

    plsc.subcore_barrier()
    pltpu.sync_copy(acc.at[pl.ds(row0, STRIPE)],
                    out_hbm.at[c, pl.ds(row0, STRIPE)])


BN = 2000


_DNUMS = (((1,), (1,)), ((), ()))


def _tc_self_body(x_ref, wr_ref, br_ref, o_ref):
    o_ref[...] = (lax.dot_general(x_ref[...].astype(bf16),
                                  wr_ref[...].astype(bf16), _DNUMS,
                                  preferred_element_type=f32)
                  + br_ref[...])


def _tc_self(x, Wr, br):
    return pl.pallas_call(
        _tc_self_body,
        grid=(N // BN,),
        in_specs=[
            pl.BlockSpec((BN, D), lambda i: (i, 0)),
            pl.BlockSpec((D, D), lambda i: (0, 0)),
            pl.BlockSpec((1, D), lambda i: (0, 0)),
        ],
        out_specs=pl.BlockSpec((BN, D), lambda i: (i, 0)),
        out_shape=jax.ShapeDtypeStruct((N, D), f32),
    )(x, Wr, br)


def _tc_layer_body(act, p_ref, cnt_ref, st_ref, wl_ref, *o_refs):
    ssum = p_ref[0].astype(f32) + p_ref[1].astype(f32)
    count = cnt_ref[0, :, 0:1] + cnt_ref[1, :, 0:1]
    mean = (ssum / jnp.maximum(count, 1.0)).astype(bf16)
    y = (lax.dot_general(mean, wl_ref[...].astype(bf16), _DNUMS,
                         preferred_element_type=f32)
         + st_ref[...])
    if act == "relu":
        h = jnp.maximum(y, 0.0)
        o_refs[0][...] = h
        o_refs[1][...] = h.astype(bf16)
    else:
        m = jnp.max(y, axis=1, keepdims=True)
        lse = m + jnp.log(jnp.sum(jnp.exp(y - m), axis=1, keepdims=True))
        o_refs[0][...] = y - lse


def _tc_layer(p, cnt, st, Wl, act):
    if act == "relu":
        out_specs = [pl.BlockSpec((BN, D), lambda i: (i, 0)),
                     pl.BlockSpec((BN, D), lambda i: (i, 0))]
        out_shape = [jax.ShapeDtypeStruct((N, D), f32),
                     jax.ShapeDtypeStruct((N, D), bf16)]
    else:
        out_specs = pl.BlockSpec((BN, D), lambda i: (i, 0))
        out_shape = jax.ShapeDtypeStruct((N, D), f32)
    return pl.pallas_call(
        functools.partial(_tc_layer_body, act),
        grid=(N // BN,),
        in_specs=[
            pl.BlockSpec((NC, BN, D), lambda i: (0, i, 0)),
            pl.BlockSpec((NC, BN, CW), lambda i: (0, i, 0)),
            pl.BlockSpec((BN, D), lambda i: (i, 0)),
            pl.BlockSpec((D, D), lambda i: (0, 0)),
        ],
        out_specs=out_specs,
        out_shape=out_shape,
    )(p, cnt, st, Wl)


def kernel(x, edge_index, W1l, b1, W1r, W2l, b2, W2r):
    ei = edge_index.astype(jnp.int32)
    src = ei[0].reshape(NC, NS, NB, K)
    dst = ei[1].reshape(NC, NS, NB, K)

    p1, cnt = _sc_agg_counts(x.astype(bf16), src, dst)
    st1 = _tc_self(x, W1r, b1.reshape(1, D))
    h, hb = _tc_layer(p1, cnt, st1, W1l, "relu")
    p2 = _sc_agg(hb, src, dst)
    st2 = _tc_self(h, W2r, b2.reshape(1, D))
    return _tc_layer(p2, cnt, st2, W2l, "logsoftmax")

# --- scband reference (transcript-rebuilt; emitter-appended) ---
"""Pipeline reference for scband-sage-13589276524996 (READ-ONLY COPY).

The authoritative reference and input builder live on the scoring server;
editing this copy changes nothing except your own understanding.
"""

import jax, jax.numpy as jnp
import numpy as np

N_NODES = 10000
N_EDGES = 320000
D_IN = 128
D_HID = 128
D_OUT = 128


def setup_inputs(seed: int = 0) -> dict:
    key = jax.random.key(seed)
    ks = jax.random.split(key, 8)
    x = jax.random.normal(ks[0], (N_NODES, D_IN), dtype=jnp.float32)
    edge_index = jax.random.randint(ks[1], (2, N_EDGES), 0, N_NODES, dtype=jnp.int64)
    s = 0.05
    # PyG SAGEConv: lin_l acts on aggregated neighbors (has bias), lin_r on root (no bias)
    W1l = jax.random.normal(ks[2], (D_HID, D_IN), dtype=jnp.float32) * s
    b1 = jnp.zeros((D_HID,), dtype=jnp.float32)
    W1r = jax.random.normal(ks[3], (D_HID, D_IN), dtype=jnp.float32) * s
    W2l = jax.random.normal(ks[4], (D_OUT, D_HID), dtype=jnp.float32) * s
    b2 = jnp.zeros((D_OUT,), dtype=jnp.float32)
    W2r = jax.random.normal(ks[5], (D_OUT, D_HID), dtype=jnp.float32) * s
    return {"x": x, "edge_index": edge_index, "W1l": W1l, "b1": b1, "W1r": W1r, "W2l": W2l, "b2": b2, "W2r": W2r}


def _sage_conv(x, src, dst, Wl, bl, Wr):
    # mean aggregation of neighbor messages x[src] at dst
    msg = jnp.take(x, src, axis=0)
    summed = jax.ops.segment_sum(msg, dst, num_segments=N_NODES)
    ones = jnp.ones((src.shape[0], 1), dtype=x.dtype)
    count = jax.ops.segment_sum(ones, dst, num_segments=N_NODES)
    mean = summed / jnp.maximum(count, 1.0)
    return mean @ Wl.T + bl + x @ Wr.T


def reference(x, edge_index, W1l, b1, W1r, W2l, b2, W2r):
    src = edge_index[0]
    dst = edge_index[1]
    h = _sage_conv(x, src, dst, W1l, b1, W1r)
    h = jax.nn.relu(h)
    # F.dropout(training=False) in eval -> identity
    out = _sage_conv(h, src, dst, W2l, b2, W2r)
    return jax.nn.log_softmax(out, axis=1)

if __name__ == "__main__":
    import jax
    _d = setup_inputs()
    print(jax.jit(kernel)(*tuple(_d.values())))

</pallas_src>

<mosaic_0001>
#map = affine_map<(d0, d1) -> (0, 0)>
#map1 = affine_map<(d0, d1) -> (0, 0, 0, 0)>
#map2 = affine_map<(d0, d1) -> (0, 0, 0)>
module attributes {stable_mosaic.version = 14 : i64} {
  func.func @_sc_agg_counts(%arg0: i32, %arg1: i32, %arg2: memref<10000x128xbf16, #tpu.memory_space<hbm>>, %arg3: memref<2x16x40x250xi32, #tpu.memory_space<hbm>>, %arg4: memref<2x16x40x250xi32, #tpu.memory_space<hbm>>, %arg5: memref<2x10000x128xbf16, #tpu.memory_space<hbm>>, %arg6: memref<2x10000x16xf32, #tpu.memory_space<hbm>>, %arg7: memref<10000x128xbf16, #tpu.memory_space<vmem_shared>>, %arg8: memref<10000x16xf32, #tpu.memory_space<vmem_shared>>, %arg9: memref<5x250xi32, #tpu.memory_space<vmem>>, %arg10: memref<5x250xi32, #tpu.memory_space<vmem>>, %arg11: memref<250x128xbf16, #tpu.memory_space<vmem>>, %arg12: memref<250x128xbf16, #tpu.memory_space<vmem>>, %arg13: memref<25x128xbf16, #tpu.memory_space<vmem>>, %arg14: memref<25x16xf32, #tpu.memory_space<vmem>>, %arg15: memref<250x16xf32, #tpu.memory_space<vmem>>, %arg16: memref<!tpu.dma_semaphore, #tpu.memory_space<semaphore_mem>>, %arg17: memref<!tpu.dma_semaphore, #tpu.memory_space<semaphore_mem>>) attributes {dimension_semantics = [#tpu.dimension_semantics<core_parallel>, #tpu.dimension_semantics<subcore_parallel>], iteration_bounds = array<i64: 2, 16>, scalar_prefetch = 0 : i64, scratch_operands = 11 : i64, tpu.core_type = #tpu.core_type<sc_vector_subcore>, window_params = [{transform_indices = #map}, {transform_indices = #map1}, {transform_indices = #map1}, {transform_indices = #map2}, {transform_indices = #map2}]} {
    %scan3A = arith.constant 0 : i32
    %scan3A_0 = arith.constant 25 : i32
    %scan3A_1 = arith.addi %scan3A, %scan3A_0 : i32
    %scan3A_2 = arith.constant 1 : i32
    scf.for %scan3A_26 = %scan3A to %scan3A_1 step %scan3A_2  : i32 {
      %mul3A_27 = arith.constant 1 : i32
      %mul3A_28 = arith.muli %scan3A_26, %mul3A_27 : i32
      %add3A = arith.constant 0 : i32
      %add3A_29 = arith.addi %add3A, %mul3A_28 : i32
      %scan3A_30 = arith.constant 0 : i32
      %scan3A_31 = arith.constant 4 : i32
      %scan3A_32 = arith.addi %scan3A_30, %scan3A_31 : i32
      %scan3A_33 = arith.constant 1 : i32
      scf.for %scan3A_35 = %scan3A_30 to %scan3A_32 step %scan3A_33  : i32 {
        %mul3A_36 = arith.constant 32 : i32
        %mul3A_37 = arith.muli %scan3A_35, %mul3A_36 : i32
        %add3A_38 = arith.constant 0 : i32
        %add3A_39 = arith.addi %add3A_38, %mul3A_37 : i32
        %broadcast_in_dim3A = arith.constant 0.000000e+00 : bf16
        %broadcast_in_dim3A_40 = vector.broadcast %broadcast_in_dim3A : bf16 to vector<32xbf16>
        %swap3A = arith.index_cast %add3A_29 : i32 to index
        %swap3A_41 = arith.index_cast %add3A_39 : i32 to index
        %swap3A_42 = tpu.vector_load %arg13[%swap3A, %swap3A_41] {strides = array<i32>} : memref<25x128xbf16, #tpu.memory_space<vmem>>, vector<1x32xbf16>,
        %swap3A_43 = vector.shape_cast %swap3A_42 : vector<1x32xbf16> to vector<32xbf16>
        %swap3A_44 = vector.shape_cast %broadcast_in_dim3A_40 : vector<32xbf16> to vector<1x32xbf16>
        tpu.vector_store %arg13[%swap3A, %swap3A_41], %swap3A_44 {strides = array<i32>} : memref<25x128xbf16, #tpu.memory_space<vmem>>, vector<1x32xbf16>,
      }
      %scan3A_34 = arith.constant 4 : i32
    }
    %scan3A_3 = arith.constant 25 : i32
    %scan3A_4 = arith.constant 0 : i32
    %scan3A_5 = arith.constant 25 : i32
    %scan3A_6 = arith.addi %scan3A_4, %scan3A_5 : i32
    %scan3A_7 = arith.constant 1 : i32
    scf.for %scan3A_26 = %scan3A_4 to %scan3A_6 step %scan3A_7  : i32 {
      %mul3A_27 = arith.constant 1 : i32
      %mul3A_28 = arith.muli %scan3A_26, %mul3A_27 : i32
      %add3A = arith.constant 0 : i32
      %add3A_29 = arith.addi %add3A, %mul3A_28 : i32
      %scan3A_30 = arith.constant 0 : i32
      %mul3A_31 = arith.constant 16 : i32
      %mul3A_32 = arith.muli %scan3A_30, %mul3A_31 : i32
      %add3A_33 = arith.constant 0 : i32
      %add3A_34 = arith.addi %add3A_33, %mul3A_32 : i32
      %broadcast_in_dim3A = arith.constant 0.000000e+00 : f32
      %broadcast_in_dim3A_35 = vector.broadcast %broadcast_in_dim3A : f32 to vector<16xf32>
      %swap3A = arith.index_cast %add3A_29 : i32 to index
      %swap3A_36 = arith.index_cast %add3A_34 : i32 to index
      %swap3A_37 = tpu.vector_load %arg14[%swap3A, %swap3A_36] {strides = array<i32>} : memref<25x16xf32, #tpu.memory_space<vmem>>, vector<1x16xf32>,
      %swap3A_38 = vector.shape_cast %swap3A_37 : vector<1x16xf32> to vector<16xf32>
      %swap3A_39 = vector.shape_cast %broadcast_in_dim3A_35 : vector<16xf32> to vector<1x16xf32>
      tpu.vector_store %arg14[%swap3A, %swap3A_36], %swap3A_39 {strides = array<i32>} : memref<25x16xf32, #tpu.memory_space<vmem>>, vector<1x16xf32>,
      %scan3A_40 = arith.constant 1 : i32
    }
    %scan3A_8 = arith.constant 25 : i32
    %scan3A_9 = arith.constant 0 : i32
    %scan3A_10 = arith.constant 250 : i32
    %scan3A_11 = arith.addi %scan3A_9, %scan3A_10 : i32
    %scan3A_12 = arith.constant 1 : i32
    scf.for %scan3A_26 = %scan3A_9 to %scan3A_11 step %scan3A_12  : i32 {
      %mul3A_27 = arith.constant 1 : i32
      %mul3A_28 = arith.muli %scan3A_26, %mul3A_27 : i32
      %add3A = arith.constant 0 : i32
      %add3A_29 = arith.addi %add3A, %mul3A_28 : i32
      %broadcast_in_dim3A = arith.constant 1.000000e+00 : f32
      %broadcast_in_dim3A_30 = vector.broadcast %broadcast_in_dim3A : f32 to vector<16xf32>
      %swap3A = arith.index_cast %add3A_29 : i32 to index
      %swap3A_31 = arith.constant 0 : index
      %swap3A_32 = tpu.vector_load %arg15[%swap3A, %swap3A_31] {strides = array<i32>} : memref<250x16xf32, #tpu.memory_space<vmem>>, vector<1x16xf32>,
      %swap3A_33 = vector.shape_cast %swap3A_32 : vector<1x16xf32> to vector<16xf32>
      %swap3A_34 = vector.shape_cast %broadcast_in_dim3A_30 : vector<16xf32> to vector<1x16xf32>
      tpu.vector_store %arg15[%swap3A, %swap3A_31], %swap3A_34 {strides = array<i32>} : memref<250x16xf32, #tpu.memory_space<vmem>>, vector<1x16xf32>,
    }
    %scan3A_13 = arith.constant 250 : i32
    %mul3A = arith.constant 625 : i32
    %mul3A_14 = arith.muli %arg1, %mul3A : i32
    %scan3A_15 = arith.constant 0 : i32
    %scan3A_16 = arith.constant 25 : i32
    %scan3A_17 = arith.addi %scan3A_15, %scan3A_16 : i32
    %scan3A_18 = arith.constant 1 : i32
    scf.for %scan3A_26 = %scan3A_15 to %scan3A_17 step %scan3A_18  : i32 {
      %mul3A_27 = arith.constant 1 : i32
      %mul3A_28 = arith.muli %scan3A_26, %mul3A_27 : i32
      %add3A = arith.constant 0 : i32
      %add3A_29 = arith.addi %add3A, %mul3A_28 : i32
      %mul3A_30 = arith.constant 25 : i32
      %mul3A_31 = arith.muli %add3A_29, %mul3A_30 : i32
      %add3A_32 = arith.addi %mul3A_14, %mul3A_31 : i32
      "tpu.region"() ({
        %run_scoped3A = tpu.sem_alloc : memref<!tpu.dma_semaphore, #tpu.memory_space<semaphore_mem>>
        %dma_start3A = arith.constant 0 : i32
        %dma_start3A_36 = tpu.memref_slice %arg7[%add3A_32, %dma_start3A] : memref<10000x128xbf16, #tpu.memory_space<vmem_shared>> -> memref<25x128xbf16, #tpu.memory_space<vmem_shared>>
        %dma_start3A_37 = arith.constant 0 : i32
        %dma_start3A_38 = tpu.memref_slice %arg7[%add3A_32, %dma_start3A_37] : memref<10000x128xbf16, #tpu.memory_space<vmem_shared>> -> memref<25x128xbf16, #tpu.memory_space<vmem_shared>>
        tpu.enqueue_dma source(%arg13 : memref<25x128xbf16, #tpu.memory_space<vmem>>) target(%dma_start3A_38 : memref<25x128xbf16, #tpu.memory_space<vmem_shared>>) target_semaphore(%run_scoped3A : memref<!tpu.dma_semaphore, #tpu.memory_space<semaphore_mem>>)
        %dma_wait3A = arith.constant 0 : i32
        %dma_wait3A_39 = tpu.memref_slice %arg7[%add3A_32, %dma_wait3A] : memref<10000x128xbf16, #tpu.memory_space<vmem_shared>> -> memref<25x128xbf16, #tpu.memory_space<vmem_shared>>
        %dma_wait3A_40 = arith.constant 0 : i32
        %dma_wait3A_41 = tpu.memref_slice %arg7[%add3A_32, %dma_wait3A_40] : memref<10000x128xbf16, #tpu.memory_space<vmem_shared>> -> memref<25x128xbf16, #tpu.memory_space<vmem_shared>>
        tpu.wait_dma2 semaphore(%run_scoped3A : memref<!tpu.dma_semaphore, #tpu.memory_space<semaphore_mem>>) src(%arg13 : memref<25x128xbf16, #tpu.memory_space<vmem>>) dst(%dma_wait3A_41 : memref<25x128xbf16, #tpu.memory_space<vmem_shared>>)
        tpu.yield
      }) : () -> ()
      %mul3A_33 = arith.constant 25 : i32
      %mul3A_34 = arith.muli %add3A_29, %mul3A_33 : i32
      %add3A_35 = arith.addi %mul3A_14, %mul3A_34 : i32
      "tpu.region"() ({
        %run_scoped3A = tpu.sem_alloc : memref<!tpu.dma_semaphore, #tpu.memory_space<semaphore_mem>>
        %dma_start3A = arith.constant 0 : i32
        %dma_start3A_36 = tpu.memref_slice %arg8[%add3A_35, %dma_start3A] : memref<10000x16xf32, #tpu.memory_space<vmem_shared>> -> memref<25x16xf32, #tpu.memory_space<vmem_shared>>
        %dma_start3A_37 = arith.constant 0 : i32
        %dma_start3A_38 = tpu.memref_slice %arg8[%add3A_35, %dma_start3A_37] : memref<10000x16xf32, #tpu.memory_space<vmem_shared>> -> memref<25x16xf32, #tpu.memory_space<vmem_shared>>
        tpu.enqueue_dma source(%arg14 : memref<25x16xf32, #tpu.memory_space<vmem>>) target(%dma_start3A_38 : memref<25x16xf32, #tpu.memory_space<vmem_shared>>) target_semaphore(%run_scoped3A : memref<!tpu.dma_semaphore, #tpu.memory_space<semaphore_mem>>)
        %dma_wait3A = arith.constant 0 : i32
        %dma_wait3A_39 = tpu.memref_slice %arg8[%add3A_35, %dma_wait3A] : memref<10000x16xf32, #tpu.memory_space<vmem_shared>> -> memref<25x16xf32, #tpu.memory_space<vmem_shared>>
        %dma_wait3A_40 = arith.constant 0 : i32
        %dma_wait3A_41 = tpu.memref_slice %arg8[%add3A_35, %dma_wait3A_40] : memref<10000x16xf32, #tpu.memory_space<vmem_shared>> -> memref<25x16xf32, #tpu.memory_space<vmem_shared>>
        tpu.wait_dma2 semaphore(%run_scoped3A : memref<!tpu.dma_semaphore, #tpu.memory_space<semaphore_mem>>) src(%arg14 : memref<25x16xf32, #tpu.memory_space<vmem>>) dst(%dma_wait3A_41 : memref<25x16xf32, #tpu.memory_space<vmem_shared>>)
        tpu.yield
      }) : () -> ()
    }
    %scan3A_19 = arith.constant 25 : i32
    %barrier3A = arith.constant 0 : index
    tpu.barrier barrier_id(%barrier3A)
    %scan3A_20 = arith.constant 0 : i32
    %scan3A_21 = arith.constant 8 : i32
    %scan3A_22 = arith.addi %scan3A_20, %scan3A_21 : i32
    %scan3A_23 = arith.constant 1 : i32
    scf.for %scan3A_26 = %scan3A_20 to %scan3A_22 step %scan3A_23  : i32 {
      %mul3A_27 = arith.constant 1 : i32
      %mul3A_28 = arith.muli %scan3A_26, %mul3A_27 : i32
      %add3A = arith.constant 0 : i32
      %add3A_29 = arith.addi %add3A, %mul3A_28 : i32
      %mul3A_30 = arith.constant 5 : i32
      %mul3A_31 = arith.muli %add3A_29, %mul3A_30 : i32
      "tpu.region"() ({
        %run_scoped3A_111 = tpu.sem_alloc : memref<!tpu.dma_semaphore, #tpu.memory_space<semaphore_mem>>
        %dma_start3A_112 = arith.constant 0 : i32
        %dma_start3A_113 = tpu.memref_slice %arg3[%arg0, %arg1, %mul3A_31, %dma_start3A_112] : memref<2x16x40x250xi32, #tpu.memory_space<hbm>> -> memref<1x1x5x250xi32, #tpu.memory_space<hbm>>
        %dma_start3A_114 = tpu.memref_squeeze %dma_start3A_113 : memref<1x1x5x250xi32, #tpu.memory_space<hbm>> -> memref<5x250xi32, #tpu.memory_space<hbm>>
        %dma_start3A_115 = arith.constant 0 : i32
        %dma_start3A_116 = tpu.memref_slice %arg3[%arg0, %arg1, %mul3A_31, %dma_start3A_115] : memref<2x16x40x250xi32, #tpu.memory_space<hbm>> -> memref<1x1x5x250xi32, #tpu.memory_space<hbm>>
        %dma_start3A_117 = tpu.memref_squeeze %dma_start3A_116 : memref<1x1x5x250xi32, #tpu.memory_space<hbm>> -> memref<5x250xi32, #tpu.memory_space<hbm>>
        tpu.enqueue_dma source(%dma_start3A_117 : memref<5x250xi32, #tpu.memory_space<hbm>>) target(%arg9 : memref<5x250xi32, #tpu.memory_space<vmem>>) target_semaphore(%run_scoped3A_111 : memref<!tpu.dma_semaphore, #tpu.memory_space<semaphore_mem>>)
        %dma_wait3A_118 = arith.constant 0 : i32
        %dma_wait3A_119 = tpu.memref_slice %arg3[%arg0, %arg1, %mul3A_31, %dma_wait3A_118] : memref<2x16x40x250xi32, #tpu.memory_space<hbm>> -> memref<1x1x5x250xi32, #tpu.memory_space<hbm>>
        %dma_wait3A_120 = tpu.memref_squeeze %dma_wait3A_119 : memref<1x1x5x250xi32, #tpu.memory_space<hbm>> -> memref<5x250xi32, #tpu.memory_space<hbm>>
        %dma_wait3A_121 = arith.constant 0 : i32
        %dma_wait3A_122 = tpu.memref_slice %arg3[%arg0, %arg1, %mul3A_31, %dma_wait3A_121] : memref<2x16x40x250xi32, #tpu.memory_space<hbm>> -> memref<1x1x5x250xi32, #tpu.memory_space<hbm>>
        %dma_wait3A_123 = tpu.memref_squeeze %dma_wait3A_122 : memref<1x1x5x250xi32, #tpu.memory_space<hbm>> -> memref<5x250xi32, #tpu.memory_space<hbm>>
        tpu.wait_dma2 semaphore(%run_scoped3A_111 : memref<!tpu.dma_semaphore, #tpu.memory_space<semaphore_mem>>) src(%dma_wait3A_123 : memref<5x250xi32, #tpu.memory_space<hbm>>) dst(%arg9 : memref<5x250xi32, #tpu.memory_space<vmem>>)
        tpu.yield
      }) : () -> ()
      %mul3A_32 = arith.constant 5 : i32
      %mul3A_33 = arith.muli %add3A_29, %mul3A_32 : i32
      "tpu.region"() ({
        %run_scoped3A_111 = tpu.sem_alloc : memref<!tpu.dma_semaphore, #tpu.memory_space<semaphore_mem>>
        %dma_start3A_112 = arith.constant 0 : i32
        %dma_start3A_113 = tpu.memref_slice %arg4[%arg0, %arg1, %mul3A_33, %dma_start3A_112] : memref<2x16x40x250xi32, #tpu.memory_space<hbm>> -> memref<1x1x5x250xi32, #tpu.memory_space<hbm>>
        %dma_start3A_114 = tpu.memref_squeeze %dma_start3A_113 : memref<1x1x5x250xi32, #tpu.memory_space<hbm>> -> memref<5x250xi32, #tpu.memory_space<hbm>>
        %dma_start3A_115 = arith.constant 0 : i32
        %dma_start3A_116 = tpu.memref_slice %arg4[%arg0, %arg1, %mul3A_33, %dma_start3A_115] : memref<2x16x40x250xi32, #tpu.memory_space<hbm>> -> memref<1x1x5x250xi32, #tpu.memory_space<hbm>>
        %dma_start3A_117 = tpu.memref_squeeze %dma_start3A_116 : memref<1x1x5x250xi32, #tpu.memory_space<hbm>> -> memref<5x250xi32, #tpu.memory_space<hbm>>
        tpu.enqueue_dma source(%dma_start3A_117 : memref<5x250xi32, #tpu.memory_space<hbm>>) target(%arg10 : memref<5x250xi32, #tpu.memory_space<vmem>>) target_semaphore(%run_scoped3A_111 : memref<!tpu.dma_semaphore, #tpu.memory_space<semaphore_mem>>)
        %dma_wait3A_118 = arith.constant 0 : i32
        %dma_wait3A_119 = tpu.memref_slice %arg4[%arg0, %arg1, %mul3A_33, %dma_wait3A_118] : memref<2x16x40x250xi32, #tpu.memory_space<hbm>> -> memref<1x1x5x250xi32, #tpu.memory_space<hbm>>
        %dma_wait3A_120 = tpu.memref_squeeze %dma_wait3A_119 : memref<1x1x5x250xi32, #tpu.memory_space<hbm>> -> memref<5x250xi32, #tpu.memory_space<hbm>>
        %dma_wait3A_121 = arith.constant 0 : i32
        %dma_wait3A_122 = tpu.memref_slice %arg4[%arg0, %arg1, %mul3A_33, %dma_wait3A_121] : memref<2x16x40x250xi32, #tpu.memory_space<hbm>> -> memref<1x1x5x250xi32, #tpu.memory_space<hbm>>
        %dma_wait3A_123 = tpu.memref_squeeze %dma_wait3A_122 : memref<1x1x5x250xi32, #tpu.memory_space<hbm>> -> memref<5x250xi32, #tpu.memory_space<hbm>>
        tpu.wait_dma2 semaphore(%run_scoped3A_111 : memref<!tpu.dma_semaphore, #tpu.memory_space<semaphore_mem>>) src(%dma_wait3A_123 : memref<5x250xi32, #tpu.memory_space<hbm>>) dst(%arg10 : memref<5x250xi32, #tpu.memory_space<vmem>>)
        tpu.yield
      }) : () -> ()
      %dma_start3A = arith.constant 0 : i32
      %dma_start3A_34 = arith.constant 0 : i32
      %dma_start3A_35 = tpu.memref_slice %arg9[%dma_start3A, %dma_start3A_34] : memref<5x250xi32, #tpu.memory_space<vmem>> -> memref<1x250xi32, #tpu.memory_space<vmem>>
      %dma_start3A_36 = tpu.memref_squeeze %dma_start3A_35 : memref<1x250xi32, #tpu.memory_space<vmem>> -> memref<250xi32, #tpu.memory_space<vmem>>
      %dma_start3A_37 = arith.constant 0 : i32
      %dma_start3A_38 = arith.constant 0 : i32
      %dma_start3A_39 = tpu.memref_slice %arg2[%dma_start3A_37, %dma_start3A_38] : memref<10000x128xbf16, #tpu.memory_space<hbm>> -> memref<10000x128xbf16, #tpu.memory_space<hbm>>
      tpu.enqueue_indirect_dma source(%dma_start3A_39 : memref<10000x128xbf16, #tpu.memory_space<hbm>>) target(%arg11 : memref<250x128xbf16, #tpu.memory_space<vmem>>) offsets(%dma_start3A_36 : memref<250xi32, #tpu.memory_space<vmem>>) semaphore(%arg16 : memref<!tpu.dma_semaphore, #tpu.memory_space<semaphore_mem>>)
      %dma_start3A_40 = arith.constant 1 : i32
      %dma_start3A_41 = arith.constant 0 : i32
      %dma_start3A_42 = tpu.memref_slice %arg9[%dma_start3A_40, %dma_start3A_41] : memref<5x250xi32, #tpu.memory_space<vmem>> -> memref<1x250xi32, #tpu.memory_space<vmem>>
      %dma_start3A_43 = tpu.memref_squeeze %dma_start3A_42 : memref<1x250xi32, #tpu.memory_space<vmem>> -> memref<250xi32, #tpu.memory_space<vmem>>
      %dma_start3A_44 = arith.constant 0 : i32
      %dma_start3A_45 = arith.constant 0 : i32
      %dma_start3A_46 = tpu.memref_slice %arg2[%dma_start3A_44, %dma_start3A_45] : memref<10000x128xbf16, #tpu.memory_space<hbm>> -> memref<10000x128xbf16, #tpu.memory_space<hbm>>
      tpu.enqueue_indirect_dma source(%dma_start3A_46 : memref<10000x128xbf16, #tpu.memory_space<hbm>>) target(%arg12 : memref<250x128xbf16, #tpu.memory_space<vmem>>) offsets(%dma_start3A_43 : memref<250xi32, #tpu.memory_space<vmem>>) semaphore(%arg17 : memref<!tpu.dma_semaphore, #tpu.memory_space<semaphore_mem>>)
      %dma_wait3A = arith.constant 0 : i32
      %dma_wait3A_47 = arith.constant 0 : i32
      %dma_wait3A_48 = tpu.memref_slice %arg9[%dma_wait3A, %dma_wait3A_47] : memref<5x250xi32, #tpu.memory_space<vmem>> -> memref<1x250xi32, #tpu.memory_space<vmem>>
      %dma_wait3A_49 = tpu.memref_squeeze %dma_wait3A_48 : memref<1x250xi32, #tpu.memory_space<vmem>> -> memref<250xi32, #tpu.memory_space<vmem>>
      %dma_wait3A_50 = arith.constant 0 : i32
      %dma_wait3A_51 = arith.constant 0 : i32
      %dma_wait3A_52 = tpu.memref_slice %arg2[%dma_wait3A_50, %dma_wait3A_51] : memref<10000x128xbf16, #tpu.memory_space<hbm>> -> memref<10000x128xbf16, #tpu.memory_space<hbm>>
      tpu.wait_indirect_dma semaphore(%arg16 : memref<!tpu.dma_semaphore, #tpu.memory_space<semaphore_mem>>) src(%dma_wait3A_52 : memref<10000x128xbf16, #tpu.memory_space<hbm>>) dst(%arg11 : memref<250x128xbf16, #tpu.memory_space<vmem>>)
      %run_scoped3A = arith.constant 0 : i32
      "tpu.region"() ({
        %run_scoped3A_111 = tpu.sem_alloc : memref<!tpu.dma_semaphore, #tpu.memory_space<semaphore_mem>>
        %dma_start3A_112 = arith.constant 0 : i32
        %dma_start3A_113 = tpu.memref_slice %arg10[%run_scoped3A, %dma_start3A_112] : memref<5x250xi32, #tpu.memory_space<vmem>> -> memref<1x250xi32, #tpu.memory_space<vmem>>
        %dma_start3A_114 = tpu.memref_squeeze %dma_start3A_113 : memref<1x250xi32, #tpu.memory_space<vmem>> -> memref<250xi32, #tpu.memory_space<vmem>>
        %dma_start3A_115 = arith.constant 0 : i32
        %dma_start3A_116 = arith.constant 0 : i32
        %dma_start3A_117 = tpu.memref_slice %arg7[%dma_start3A_115, %dma_start3A_116] : memref<10000x128xbf16, #tpu.memory_space<vmem_shared>> -> memref<10000x128xbf16, #tpu.memory_space<vmem_shared>>
        tpu.enqueue_indirect_dma source(%arg11 : memref<250x128xbf16, #tpu.memory_space<vmem>>) target(%dma_start3A_117 : memref<10000x128xbf16, #tpu.memory_space<vmem_shared>>) offsets(%dma_start3A_114 : memref<250xi32, #tpu.memory_space<vmem>>) semaphore(%run_scoped3A_111 : memref<!tpu.dma_semaphore, #tpu.memory_space<semaphore_mem>>) {add = true}
        %dma_wait3A_118 = arith.constant 0 : i32
        %dma_wait3A_119 = tpu.memref_slice %arg10[%run_scoped3A, %dma_wait3A_118] : memref<5x250xi32, #tpu.memory_space<vmem>> -> memref<1x250xi32, #tpu.memory_space<vmem>>
        %dma_wait3A_120 = tpu.memref_squeeze %dma_wait3A_119 : memref<1x250xi32, #tpu.memory_space<vmem>> -> memref<250xi32, #tpu.memory_space<vmem>>
        %dma_wait3A_121 = arith.constant 0 : i32
        %dma_wait3A_122 = arith.constant 0 : i32
        %dma_wait3A_123 = tpu.memref_slice %arg7[%dma_wait3A_121, %dma_wait3A_122] : memref<10000x128xbf16, #tpu.memory_space<vmem_shared>> -> memref<10000x128xbf16, #tpu.memory_space<vmem_shared>>
        tpu.wait_indirect_dma semaphore(%run_scoped3A_111 : memref<!tpu.dma_semaphore, #tpu.memory_space<semaphore_mem>>) src(%arg11 : memref<250x128xbf16, #tpu.memory_space<vmem>>) dst(%dma_wait3A_123 : memref<10000x128xbf16, #tpu.memory_space<vmem_shared>>)
        tpu.yield
      }) : () -> ()
      %run_scoped3A_53 = arith.constant 0 : i32
      "tpu.region"() ({
        %run_scoped3A_111 = tpu.sem_alloc : memref<!tpu.dma_semaphore, #tpu.memory_space<semaphore_mem>>
        %dma_start3A_112 = arith.constant 0 : i32
        %dma_start3A_113 = tpu.memref_slice %arg10[%run_scoped3A_53, %dma_start3A_112] : memref<5x250xi32, #tpu.memory_space<vmem>> -> memref<1x250xi32, #tpu.memory_space<vmem>>
        %dma_start3A_114 = tpu.memref_squeeze %dma_start3A_113 : memref<1x250xi32, #tpu.memory_space<vmem>> -> memref<250xi32, #tpu.memory_space<vmem>>
        %dma_start3A_115 = arith.constant 0 : i32
        %dma_start3A_116 = arith.constant 0 : i32
        %dma_start3A_117 = tpu.memref_slice %arg8[%dma_start3A_115, %dma_start3A_116] : memref<10000x16xf32, #tpu.memory_space<vmem_shared>> -> memref<10000x16xf32, #tpu.memory_space<vmem_shared>>
        tpu.enqueue_indirect_dma source(%arg15 : memref<250x16xf32, #tpu.memory_space<vmem>>) target(%dma_start3A_117 : memref<10000x16xf32, #tpu.memory_space<vmem_shared>>) offsets(%dma_start3A_114 : memref<250xi32, #tpu.memory_space<vmem>>) semaphore(%run_scoped3A_111 : memref<!tpu.dma_semaphore, #tpu.memory_space<semaphore_mem>>) {add = true}
        %dma_wait3A_118 = arith.constant 0 : i32
        %dma_wait3A_119 = tpu.memref_slice %arg10[%run_scoped3A_53, %dma_wait3A_118] : memref<5x250xi32, #tpu.memory_space<vmem>> -> memref<1x250xi32, #tpu.memory_space<vmem>>
        %dma_wait3A_120 = tpu.memref_squeeze %dma_wait3A_119 : memref<1x250xi32, #tpu.memory_space<vmem>> -> memref<250xi32, #tpu.memory_space<vmem>>
        %dma_wait3A_121 = arith.constant 0 : i32
        %dma_wait3A_122 = arith.constant 0 : i32
        %dma_wait3A_123 = tpu.memref_slice %arg8[%dma_wait3A_121, %dma_wait3A_122] : memref<10000x16xf32, #tpu.memory_space<vmem_shared>> -> memref<10000x16xf32, #tpu.memory_space<vmem_shared>>
        tpu.wait_indirect_dma semaphore(%run_scoped3A_111 : memref<!tpu.dma_semaphore, #tpu.memory_space<semaphore_mem>>) src(%arg15 : memref<250x16xf32, #tpu.memory_space<vmem>>) dst(%dma_wait3A_123 : memref<10000x16xf32, #tpu.memory_space<vmem_shared>>)
        tpu.yield
      }) : () -> ()
      %dma_start3A_54 = arith.constant 2 : i32
      %dma_start3A_55 = arith.constant 0 : i32
      %dma_start3A_56 = tpu.memref_slice %arg9[%dma_start3A_54, %dma_start3A_55] : memref<5x250xi32, #tpu.memory_space<vmem>> -> memref<1x250xi32, #tpu.memory_space<vmem>>
      %dma_start3A_57 = tpu.memref_squeeze %dma_start3A_56 : memref<1x250xi32, #tpu.memory_space<vmem>> -> memref<250xi32, #tpu.memory_space<vmem>>
      %dma_start3A_58 = arith.constant 0 : i32
      %dma_start3A_59 = arith.constant 0 : i32
      %dma_start3A_60 = tpu.memref_slice %arg2[%dma_start3A_58, %dma_start3A_59] : memref<10000x128xbf16, #tpu.memory_space<hbm>> -> memref<10000x128xbf16, #tpu.memory_space<hbm>>
      tpu.enqueue_indirect_dma source(%dma_start3A_60 : memref<10000x128xbf16, #tpu.memory_space<hbm>>) target(%arg11 : memref<250x128xbf16, #tpu.memory_space<vmem>>) offsets(%dma_start3A_57 : memref<250xi32, #tpu.memory_space<vmem>>) semaphore(%arg16 : memref<!tpu.dma_semaphore, #tpu.memory_space<semaphore_mem>>)
      %dma_wait3A_61 = arith.constant 1 : i32
      %dma_wait3A_62 = arith.constant 0 : i32
      %dma_wait3A_63 = tpu.memref_slice %arg9[%dma_wait3A_61, %dma_wait3A_62] : memref<5x250xi32, #tpu.memory_space<vmem>> -> memref<1x250xi32, #tpu.memory_space<vmem>>
      %dma_wait3A_64 = tpu.memref_squeeze %dma_wait3A_63 : memref<1x250xi32, #tpu.memory_space<vmem>> -> memref<250xi32, #tpu.memory_space<vmem>>
      %dma_wait3A_65 = arith.constant 0 : i32
      %dma_wait3A_66 = arith.constant 0 : i32
      %dma_wait3A_67 = tpu.memref_slice %arg2[%dma_wait3A_65, %dma_wait3A_66] : memref<10000x128xbf16, #tpu.memory_space<hbm>> -> memref<10000x128xbf16, #tpu.memory_space<hbm>>
      tpu.wait_indirect_dma semaphore(%arg17 : memref<!tpu.dma_semaphore, #tpu.memory_space<semaphore_mem>>) src(%dma_wait3A_67 : memref<10000x128xbf16, #tpu.memory_space<hbm>>) dst(%arg12 : memref<250x128xbf16, #tpu.memory_space<vmem>>)
      %run_scoped3A_68 = arith.constant 1 : i32
      "tpu.region"() ({
        %run_scoped3A_111 = tpu.sem_alloc : memref<!tpu.dma_semaphore, #tpu.memory_space<semaphore_mem>>
        %dma_start3A_112 = arith.constant 0 : i32
        %dma_start3A_113 = tpu.memref_slice %arg10[%run_scoped3A_68, %dma_start3A_112] : memref<5x250xi32, #tpu.memory_space<vmem>> -> memref<1x250xi32, #tpu.memory_space<vmem>>
        %dma_start3A_114 = tpu.memref_squeeze %dma_start3A_113 : memref<1x250xi32, #tpu.memory_space<vmem>> -> memref<250xi32, #tpu.memory_space<vmem>>
        %dma_start3A_115 = arith.constant 0 : i32
        %dma_start3A_116 = arith.constant 0 : i32
        %dma_start3A_117 = tpu.memref_slice %arg7[%dma_start3A_115, %dma_start3A_116] : memref<10000x128xbf16, #tpu.memory_space<vmem_shared>> -> memref<10000x128xbf16, #tpu.memory_space<vmem_shared>>
        tpu.enqueue_indirect_dma source(%arg12 : memref<250x128xbf16, #tpu.memory_space<vmem>>) target(%dma_start3A_117 : memref<10000x128xbf16, #tpu.memory_space<vmem_shared>>) offsets(%dma_start3A_114 : memref<250xi32, #tpu.memory_space<vmem>>) semaphore(%run_scoped3A_111 : memref<!tpu.dma_semaphore, #tpu.memory_space<semaphore_mem>>) {add = true}
        %dma_wait3A_118 = arith.constant 0 : i32
        %dma_wait3A_119 = tpu.memref_slice %arg10[%run_scoped3A_68, %dma_wait3A_118] : memref<5x250xi32, #tpu.memory_space<vmem>> -> memref<1x250xi32, #tpu.memory_space<vmem>>
        %dma_wait3A_120 = tpu.memref_squeeze %dma_wait3A_119 : memref<1x250xi32, #tpu.memory_space<vmem>> -> memref<250xi32, #tpu.memory_space<vmem>>
        %dma_wait3A_121 = arith.constant 0 : i32
        %dma_wait3A_122 = arith.constant 0 : i32
        %dma_wait3A_123 = tpu.memref_slice %arg7[%dma_wait3A_121, %dma_wait3A_122] : memref<10000x128xbf16, #tpu.memory_space<vmem_shared>> -> memref<10000x128xbf16, #tpu.memory_space<vmem_shared>>
        tpu.wait_indirect_dma semaphore(%run_scoped3A_111 : memref<!tpu.dma_semaphore, #tpu.memory_space<semaphore_mem>>) src(%arg12 : memref<250x128xbf16, #tpu.memory_space<vmem>>) dst(%dma_wait3A_123 : memref<10000x128xbf16, #tpu.memory_space<vmem_shared>>)
        tpu.yield
      }) : () -> ()
      %run_scoped3A_69 = arith.constant 1 : i32
      "tpu.region"() ({
        %run_scoped3A_111 = tpu.sem_alloc : memref<!tpu.dma_semaphore, #tpu.memory_space<semaphore_mem>>
        %dma_start3A_112 = arith.constant 0 : i32
        %dma_start3A_113 = tpu.memref_slice %arg10[%run_scoped3A_69, %dma_start3A_112] : memref<5x250xi32, #tpu.memory_space<vmem>> -> memref<1x250xi32, #tpu.memory_space<vmem>>
        %dma_start3A_114 = tpu.memref_squeeze %dma_start3A_113 : memref<1x250xi32, #tpu.memory_space<vmem>> -> memref<250xi32, #tpu.memory_space<vmem>>
        %dma_start3A_115 = arith.constant 0 : i32
        %dma_start3A_116 = arith.constant 0 : i32
        %dma_start3A_117 = tpu.memref_slice %arg8[%dma_start3A_115, %dma_start3A_116] : memref<10000x16xf32, #tpu.memory_space<vmem_shared>> -> memref<10000x16xf32, #tpu.memory_space<vmem_shared>>
        tpu.enqueue_indirect_dma source(%arg15 : memref<250x16xf32, #tpu.memory_space<vmem>>) target(%dma_start3A_117 : memref<10000x16xf32, #tpu.memory_space<vmem_shared>>) offsets(%dma_start3A_114 : memref<250xi32, #tpu.memory_space<vmem>>) semaphore(%run_scoped3A_111 : memref<!tpu.dma_semaphore, #tpu.memory_space<semaphore_mem>>) {add = true}
        %dma_wait3A_118 = arith.constant 0 : i32
        %dma_wait3A_119 = tpu.memref_slice %arg10[%run_scoped3A_69, %dma_wait3A_118] : memref<5x250xi32, #tpu.memory_space<vmem>> -> memref<1x250xi32, #tpu.memory_space<vmem>>
        %dma_wait3A_120 = tpu.memref_squeeze %dma_wait3A_119 : memref<1x250xi32, #tpu.memory_space<vmem>> -> memref<250xi32, #tpu.memory_space<vmem>>
        %dma_wait3A_121 = arith.constant 0 : i32
        %dma_wait3A_122 = arith.constant 0 : i32
        %dma_wait3A_123 = tpu.memref_slice %arg8[%dma_wait3A_121, %dma_wait3A_122] : memref<10000x16xf32, #tpu.memory_space<vmem_shared>> -> memref<10000x16xf32, #tpu.memory_space<vmem_shared>>
        tpu.wait_indirect_dma semaphore(%run_scoped3A_111 : memref<!tpu.dma_semaphore, #tpu.memory_space<semaphore_mem>>) src(%arg15 : memref<250x16xf32, #tpu.memory_space<vmem>>) dst(%dma_wait3A_123 : memref<10000x16xf32, #tpu.memory_space<vmem_shared>>)
        tpu.yield
      }) : () -> ()
      %dma_start3A_70 = arith.constant 3 : i32
      %dma_start3A_71 = arith.constant 0 : i32
      %dma_start3A_72 = tpu.memref_slice %arg9[%dma_start3A_70, %dma_start3A_71] : memref<5x250xi32, #tpu.memory_space<vmem>> -> memref<1x250xi32, #tpu.memory_space<vmem>>
      %dma_start3A_73 = tpu.memref_squeeze %dma_start3A_72 : memref<1x250xi32, #tpu.memory_space<vmem>> -> memref<250xi32, #tpu.memory_space<vmem>>
      %dma_start3A_74 = arith.constant 0 : i32
      %dma_start3A_75 = arith.constant 0 : i32
      %dma_start3A_76 = tpu.memref_slice %arg2[%dma_start3A_74, %dma_start3A_75] : memref<10000x128xbf16, #tpu.memory_space<hbm>> -> memref<10000x128xbf16, #tpu.memory_space<hbm>>
      tpu.enqueue_indirect_dma source(%dma_start3A_76 : memref<10000x128xbf16, #tpu.memory_space<hbm>>) target(%arg12 : memref<250x128xbf16, #tpu.memory_space<vmem>>) offsets(%dma_start3A_73 : memref<250xi32, #tpu.memory_space<vmem>>) semaphore(%arg17 : memref<!tpu.dma_semaphore, #tpu.memory_space<semaphore_mem>>)
      %dma_wait3A_77 = arith.constant 2 : i32
      %dma_wait3A_78 = arith.constant 0 : i32
      %dma_wait3A_79 = tpu.memref_slice %arg9[%dma_wait3A_77, %dma_wait3A_78] : memref<5x250xi32, #tpu.memory_space<vmem>> -> memref<1x250xi32, #tpu.memory_space<vmem>>
      %dma_wait3A_80 = tpu.memref_squeeze %dma_wait3A_79 : memref<1x250xi32, #tpu.memory_space<vmem>> -> memref<250xi32, #tpu.memory_space<vmem>>
      %dma_wait3A_81 = arith.constant 0 : i32
      %dma_wait3A_82 = arith.constant 0 : i32
      %dma_wait3A_83 = tpu.memref_slice %arg2[%dma_wait3A_81, %dma_wait3A_82] : memref<10000x128xbf16, #tpu.memory_space<hbm>> -> memref<10000x128xbf16, #tpu.memory_space<hbm>>
      tpu.wait_indirect_dma semaphore(%arg16 : memref<!tpu.dma_semaphore, #tpu.memory_space<semaphore_mem>>) src(%dma_wait3A_83 : memref<10000x128xbf16, #tpu.memory_space<hbm>>) dst(%arg11 : memref<250x128xbf16, #tpu.memory_space<vmem>>)
      %run_scoped3A_84 = arith.constant 2 : i32
      "tpu.region"() ({
        %run_scoped3A_111 = tpu.sem_alloc : memref<!tpu.dma_semaphore, #tpu.memory_space<semaphore_mem>>
        %dma_start3A_112 = arith.constant 0 : i32
        %dma_start3A_113 = tpu.memref_slice %arg10[%run_scoped3A_84, %dma_start3A_112] : memref<5x250xi32, #tpu.memory_space<vmem>> -> memref<1x250xi32, #tpu.memory_space<vmem>>
        %dma_start3A_114 = tpu.memref_squeeze %dma_start3A_113 : memref<1x250xi32, #tpu.memory_space<vmem>> -> memref<250xi32, #tpu.memory_space<vmem>>
        %dma_start3A_115 = arith.constant 0 : i32
        %dma_start3A_116 = arith.constant 0 : i32
        %dma_start3A_117 = tpu.memref_slice %arg7[%dma_start3A_115, %dma_start3A_116] : memref<10000x128xbf16, #tpu.memory_space<vmem_shared>> -> memref<10000x128xbf16, #tpu.memory_space<vmem_shared>>
        tpu.enqueue_indirect_dma source(%arg11 : memref<250x128xbf16, #tpu.memory_space<vmem>>) target(%dma_start3A_117 : memref<10000x128xbf16, #tpu.memory_space<vmem_shared>>) offsets(%dma_start3A_114 : memref<250xi32, #tpu.memory_space<vmem>>) semaphore(%run_scoped3A_111 : memref<!tpu.dma_semaphore, #tpu.memory_space<semaphore_mem>>) {add = true}
        %dma_wait3A_118 = arith.constant 0 : i32
        %dma_wait3A_119 = tpu.memref_slice %arg10[%run_scoped3A_84, %dma_wait3A_118] : memref<5x250xi32, #tpu.memory_space<vmem>> -> memref<1x250xi32, #tpu.memory_space<vmem>>
        %dma_wait3A_120 = tpu.memref_squeeze %dma_wait3A_119 : memref<1x250xi32, #tpu.memory_space<vmem>> -> memref<250xi32, #tpu.memory_space<vmem>>
        %dma_wait3A_121 = arith.constant 0 : i32
        %dma_wait3A_122 = arith.constant 0 : i32
        %dma_wait3A_123 = tpu.memref_slice %arg7[%dma_wait3A_121, %dma_wait3A_122] : memref<10000x128xbf16, #tpu.memory_space<vmem_shared>> -> memref<10000x128xbf16, #tpu.memory_space<vmem_shared>>
        tpu.wait_indirect_dma semaphore(%run_scoped3A_111 : memref<!tpu.dma_semaphore, #tpu.memory_space<semaphore_mem>>) src(%arg11 : memref<250x128xbf16, #tpu.memory_space<vmem>>) dst(%dma_wait3A_123 : memref<10000x128xbf16, #tpu.memory_space<vmem_shared>>)
        tpu.yield
      }) : () -> ()
      %run_scoped3A_85 = arith.constant 2 : i32
      "tpu.region"() ({
        %run_scoped3A_111 = tpu.sem_alloc : memref<!tpu.dma_semaphore, #tpu.memory_space<semaphore_mem>>
        %dma_start3A_112 = arith.constant 0 : i32
        %dma_start3A_113 = tpu.memref_slice %arg10[%run_scoped3A_85, %dma_start3A_112] : memref<5x250xi32, #tpu.memory_space<vmem>> -> memref<1x250xi32, #tpu.memory_space<vmem>>
        %dma_start3A_114 = tpu.memref_squeeze %dma_start3A_113 : memref<1x250xi32, #tpu.memory_space<vmem>> -> memref<250xi32, #tpu.memory_space<vmem>>
        %dma_start3A_115 = arith.constant 0 : i32
        %dma_start3A_116 = arith.constant 0 : i32
        %dma_start3A_117 = tpu.memref_slice %arg8[%dma_start3A_115, %dma_start3A_116] : memref<10000x16xf32, #tpu.memory_space<vmem_shared>> -> memref<10000x16xf32, #tpu.memory_space<vmem_shared>>
        tpu.enqueue_indirect_dma source(%arg15 : memref<250x16xf32, #tpu.memory_space<vmem>>) target(%dma_start3A_117 : memref<10000x16xf32, #tpu.memory_space<vmem_shared>>) offsets(%dma_start3A_114 : memref<250xi32, #tpu.memory_space<vmem>>) semaphore(%run_scoped3A_111 : memref<!tpu.dma_semaphore, #tpu.memory_space<semaphore_mem>>) {add = true}
        %dma_wait3A_118 = arith.constant 0 : i32
        %dma_wait3A_119 = tpu.memref_slice %arg10[%run_scoped3A_85, %dma_wait3A_118] : memref<5x250xi32, #tpu.memory_space<vmem>> -> memref<1x250xi32, #tpu.memory_space<vmem>>
        %dma_wait3A_120 = tpu.memref_squeeze %dma_wait3A_119 : memref<1x250xi32, #tpu.memory_space<vmem>> -> memref<250xi32, #tpu.memory_space<vmem>>
        %dma_wait3A_121 = arith.constant 0 : i32
        %dma_wait3A_122 = arith.constant 0 : i32
        %dma_wait3A_123 = tpu.memref_slice %arg8[%dma_wait3A_121, %dma_wait3A_122] : memref<10000x16xf32, #tpu.memory_space<vmem_shared>> -> memref<10000x16xf32, #tpu.memory_space<vmem_shared>>
        tpu.wait_indirect_dma semaphore(%run_scoped3A_111 : memref<!tpu.dma_semaphore, #tpu.memory_space<semaphore_mem>>) src(%arg15 : memref<250x16xf32, #tpu.memory_space<vmem>>) dst(%dma_wait3A_123 : memref<10000x16xf32, #tpu.memory_space<vmem_shared>>)
        tpu.yield
      }) : () -> ()
      %dma_start3A_86 = arith.constant 4 : i32
      %dma_start3A_87 = arith.constant 0 : i32
      %dma_start3A_88 = tpu.memref_slice %arg9[%dma_start3A_86, %dma_start3A_87] : memref<5x250xi32, #tpu.memory_space<vmem>> -> memref<1x250xi32, #tpu.memory_space<vmem>>
      %dma_start3A_89 = tpu.memref_squeeze %dma_start3A_88 : memref<1x250xi32, #tpu.memory_space<vmem>> -> memref<250xi32, #tpu.memory_space<vmem>>
      %dma_start3A_90 = arith.constant 0 : i32
      %dma_start3A_91 = arith.constant 0 : i32
      %dma_start3A_92 = tpu.memref_slice %arg2[%dma_start3A_90, %dma_start3A_91] : memref<10000x128xbf16, #tpu.memory_space<hbm>> -> memref<10000x128xbf16, #tpu.memory_space<hbm>>
      tpu.enqueue_indirect_dma source(%dma_start3A_92 : memref<10000x128xbf16, #tpu.memory_space<hbm>>) target(%arg11 : memref<250x128xbf16, #tpu.memory_space<vmem>>) offsets(%dma_start3A_89 : memref<250xi32, #tpu.memory_space<vmem>>) semaphore(%arg16 : memref<!tpu.dma_semaphore, #tpu.memory_space<semaphore_mem>>)
      %dma_wait3A_93 = arith.constant 3 : i32
      %dma_wait3A_94 = arith.constant 0 : i32
      %dma_wait3A_95 = tpu.memref_slice %arg9[%dma_wait3A_93, %dma_wait3A_94] : memref<5x250xi32, #tpu.memory_space<vmem>> -> memref<1x250xi32, #tpu.memory_space<vmem>>
      %dma_wait3A_96 = tpu.memref_squeeze %dma_wait3A_95 : memref<1x250xi32, #tpu.memory_space<vmem>> -> memref<250xi32, #tpu.memory_space<vmem>>
      %dma_wait3A_97 = arith.constant 0 : i32
      %dma_wait3A_98 = arith.constant 0 : i32
      %dma_wait3A_99 = tpu.memref_slice %arg2[%dma_wait3A_97, %dma_wait3A_98] : memref<10000x128xbf16, #tpu.memory_space<hbm>> -> memref<10000x128xbf16, #tpu.memory_space<hbm>>
      tpu.wait_indirect_dma semaphore(%arg17 : memref<!tpu.dma_semaphore, #tpu.memory_space<semaphore_mem>>) src(%dma_wait3A_99 : memref<10000x128xbf16, #tpu.memory_space<hbm>>) dst(%arg12 : memref<250x128xbf16, #tpu.memory_space<vmem>>)
      %run_scoped3A_100 = arith.constant 3 : i32
      "tpu.region"() ({
        %run_scoped3A_111 = tpu.sem_alloc : memref<!tpu.dma_semaphore, #tpu.memory_space<semaphore_mem>>
        %dma_start3A_112 = arith.constant 0 : i32
        %dma_start3A_113 = tpu.memref_slice %arg10[%run_scoped3A_100, %dma_start3A_112] : memref<5x250xi32, #tpu.memory_space<vmem>> -> memref<1x250xi32, #tpu.memory_space<vmem>>
        %dma_start3A_114 = tpu.memref_squeeze %dma_start3A_113 : memref<1x250xi32, #tpu.memory_space<vmem>> -> memref<250xi32, #tpu.memory_space<vmem>>
        %dma_start3A_115 = arith.constant 0 : i32
        %dma_start3A_116 = arith.constant 0 : i32
        %dma_start3A_117 = tpu.memref_slice %arg7[%dma_start3A_115, %dma_start3A_116] : memref<10000x128xbf16, #tpu.memory_space<vmem_shared>> -> memref<10000x128xbf16, #tpu.memory_space<vmem_shared>>
        tpu.enqueue_indirect_dma source(%arg12 : memref<250x128xbf16, #tpu.memory_space<vmem>>) target(%dma_start3A_117 : memref<10000x128xbf16, #tpu.memory_space<vmem_shared>>) offsets(%dma_start3A_114 : memref<250xi32, #tpu.memory_space<vmem>>) semaphore(%run_scoped3A_111 : memref<!tpu.dma_semaphore, #tpu.memory_space<semaphore_mem>>) {add = true}
        %dma_wait3A_118 = arith.constant 0 : i32
        %dma_wait3A_119 = tpu.memref_slice %arg10[%run_scoped3A_100, %dma_wait3A_118] : memref<5x250xi32, #tpu.memory_space<vmem>> -> memref<1x250xi32, #tpu.memory_space<vmem>>
        %dma_wait3A_120 = tpu.memref_squeeze %dma_wait3A_119 : memref<1x250xi32, #tpu.memory_space<vmem>> -> memref<250xi32, #tpu.memory_space<vmem>>
        %dma_wait3A_121 = arith.constant 0 : i32
        %dma_wait3A_122 = arith.constant 0 : i32
        %dma_wait3A_123 = tpu.memref_slice %arg7[%dma_wait3A_121, %dma_wait3A_122] : memref<10000x128xbf16, #tpu.memory_space<vmem_shared>> -> memref<10000x128xbf16, #tpu.memory_space<vmem_shared>>
        tpu.wait_indirect_dma semaphore(%run_scoped3A_111 : memref<!tpu.dma_semaphore, #tpu.memory_space<semaphore_mem>>) src(%arg12 : memref<250x128xbf16, #tpu.memory_space<vmem>>) dst(%dma_wait3A_123 : memref<10000x128xbf16, #tpu.memory_space<vmem_shared>>)
        tpu.yield
      }) : () -> ()
      %run_scoped3A_101 = arith.constant 3 : i32
      "tpu.region"() ({
        %run_scoped3A_111 = tpu.sem_alloc : memref<!tpu.dma_semaphore, #tpu.memory_space<semaphore_mem>>
        %dma_start3A_112 = arith.constant 0 : i32
        %dma_start3A_113 = tpu.memref_slice %arg10[%run_scoped3A_101, %dma_start3A_112] : memref<5x250xi32, #tpu.memory_space<vmem>> -> memref<1x250xi32, #tpu.memory_space<vmem>>
        %dma_start3A_114 = tpu.memref_squeeze %dma_start3A_113 : memref<1x250xi32, #tpu.memory_space<vmem>> -> memref<250xi32, #tpu.memory_space<vmem>>
        %dma_start3A_115 = arith.constant 0 : i32
        %dma_start3A_116 = arith.constant 0 : i32
        %dma_start3A_117 = tpu.memref_slice %arg8[%dma_start3A_115, %dma_start3A_116] : memref<10000x16xf32, #tpu.memory_space<vmem_shared>> -> memref<10000x16xf32, #tpu.memory_space<vmem_shared>>
        tpu.enqueue_indirect_dma source(%arg15 : memref<250x16xf32, #tpu.memory_space<vmem>>) target(%dma_start3A_117 : memref<10000x16xf32, #tpu.memory_space<vmem_shared>>) offsets(%dma_start3A_114 : memref<250xi32, #tpu.memory_space<vmem>>) semaphore(%run_scoped3A_111 : memref<!tpu.dma_semaphore, #tpu.memory_space<semaphore_mem>>) {add = true}
        %dma_wait3A_118 = arith.constant 0 : i32
        %dma_wait3A_119 = tpu.memref_slice %arg10[%run_scoped3A_101, %dma_wait3A_118] : memref<5x250xi32, #tpu.memory_space<vmem>> -> memref<1x250xi32, #tpu.memory_space<vmem>>
        %dma_wait3A_120 = tpu.memref_squeeze %dma_wait3A_119 : memref<1x250xi32, #tpu.memory_space<vmem>> -> memref<250xi32, #tpu.memory_space<vmem>>
        %dma_wait3A_121 = arith.constant 0 : i32
        %dma_wait3A_122 = arith.constant 0 : i32
        %dma_wait3A_123 = tpu.memref_slice %arg8[%dma_wait3A_121, %dma_wait3A_122] : memref<10000x16xf32, #tpu.memory_space<vmem_shared>> -> memref<10000x16xf32, #tpu.memory_space<vmem_shared>>
        tpu.wait_indirect_dma semaphore(%run_scoped3A_111 : memref<!tpu.dma_semaphore, #tpu.memory_space<semaphore_mem>>) src(%arg15 : memref<250x16xf32, #tpu.memory_space<vmem>>) dst(%dma_wait3A_123 : memref<10000x16xf32, #tpu.memory_space<vmem_shared>>)
        tpu.yield
      }) : () -> ()
      %dma_wait3A_102 = arith.constant 4 : i32
      %dma_wait3A_103 = arith.constant 0 : i32
      %dma_wait3A_104 = tpu.memref_slice %arg9[%dma_wait3A_102, %dma_wait3A_103] : memref<5x250xi32, #tpu.memory_space<vmem>> -> memref<1x250xi32, #tpu.memory_space<vmem>>
      %dma_wait3A_105 = tpu.memref_squeeze %dma_wait3A_104 : memref<1x250xi32, #tpu.memory_space<vmem>> -> memref<250xi32, #tpu.memory_space<vmem>>
      %dma_wait3A_106 = arith.constant 0 : i32
      %dma_wait3A_107 = arith.constant 0 : i32
      %dma_wait3A_108 = tpu.memref_slice %arg2[%dma_wait3A_106, %dma_wait3A_107] : memref<10000x128xbf16, #tpu.memory_space<hbm>> -> memref<10000x128xbf16, #tpu.memory_space<hbm>>
      tpu.wait_indirect_dma semaphore(%arg16 : memref<!tpu.dma_semaphore, #tpu.memory_space<semaphore_mem>>) src(%dma_wait3A_108 : memref<10000x128xbf16, #tpu.memory_space<hbm>>) dst(%arg11 : memref<250x128xbf16, #tpu.memory_space<vmem>>)
      %run_scoped3A_109 = arith.constant 4 : i32
      "tpu.region"() ({
        %run_scoped3A_111 = tpu.sem_alloc : memref<!tpu.dma_semaphore, #tpu.memory_space<semaphore_mem>>
        %dma_start3A_112 = arith.constant 0 : i32
        %dma_start3A_113 = tpu.memref_slice %arg10[%run_scoped3A_109, %dma_start3A_112] : memref<5x250xi32, #tpu.memory_space<vmem>> -> memref<1x250xi32, #tpu.memory_space<vmem>>
        %dma_start3A_114 = tpu.memref_squeeze %dma_start3A_113 : memref<1x250xi32, #tpu.memory_space<vmem>> -> memref<250xi32, #tpu.memory_space<vmem>>
        %dma_start3A_115 = arith.constant 0 : i32
        %dma_start3A_116 = arith.constant 0 : i32
        %dma_start3A_117 = tpu.memref_slice %arg7[%dma_start3A_115, %dma_start3A_116] : memref<10000x128xbf16, #tpu.memory_space<vmem_shared>> -> memref<10000x128xbf16, #tpu.memory_space<vmem_shared>>
        tpu.enqueue_indirect_dma source(%arg11 : memref<250x128xbf16, #tpu.memory_space<vmem>>) target(%dma_start3A_117 : memref<10000x128xbf16, #tpu.memory_space<vmem_shared>>) offsets(%dma_start3A_114 : memref<250xi32, #tpu.memory_space<vmem>>) semaphore(%run_scoped3A_111 : memref<!tpu.dma_semaphore, #tpu.memory_space<semaphore_mem>>) {add = true}
        %dma_wait3A_118 = arith.constant 0 : i32
        %dma_wait3A_119 = tpu.memref_slice %arg10[%run_scoped3A_109, %dma_wait3A_118] : memref<5x250xi32, #tpu.memory_space<vmem>> -> memref<1x250xi32, #tpu.memory_space<vmem>>
        %dma_wait3A_120 = tpu.memref_squeeze %dma_wait3A_119 : memref<1x250xi32, #tpu.memory_space<vmem>> -> memref<250xi32, #tpu.memory_space<vmem>>
        %dma_wait3A_121 = arith.constant 0 : i32
        %dma_wait3A_122 = arith.constant 0 : i32
        %dma_wait3A_123 = tpu.memref_slice %arg7[%dma_wait3A_121, %dma_wait3A_122] : memref<10000x128xbf16, #tpu.memory_space<vmem_shared>> -> memref<10000x128xbf16, #tpu.memory_space<vmem_shared>>
        tpu.wait_indirect_dma semaphore(%run_scoped3A_111 : memref<!tpu.dma_semaphore, #tpu.memory_space<semaphore_mem>>) src(%arg11 : memref<250x128xbf16, #tpu.memory_space<vmem>>) dst(%dma_wait3A_123 : memref<10000x128xbf16, #tpu.memory_space<vmem_shared>>)
        tpu.yield
      }) : () -> ()
      %run_scoped3A_110 = arith.constant 4 : i32
      "tpu.region"() ({
        %run_scoped3A_111 = tpu.sem_alloc : memref<!tpu.dma_semaphore, #tpu.memory_space<semaphore_mem>>
        %dma_start3A_112 = arith.constant 0 : i32
        %dma_start3A_113 = tpu.memref_slice %arg10[%run_scoped3A_110, %dma_start3A_112] : memref<5x250xi32, #tpu.memory_space<vmem>> -> memref<1x250xi32, #tpu.memory_space<vmem>>
        %dma_start3A_114 = tpu.memref_squeeze %dma_start3A_113 : memref<1x250xi32, #tpu.memory_space<vmem>> -> memref<250xi32, #tpu.memory_space<vmem>>
        %dma_start3A_115 = arith.constant 0 : i32
        %dma_start3A_116 = arith.constant 0 : i32
        %dma_start3A_117 = tpu.memref_slice %arg8[%dma_start3A_115, %dma_start3A_116] : memref<10000x16xf32, #tpu.memory_space<vmem_shared>> -> memref<10000x16xf32, #tpu.memory_space<vmem_shared>>
        tpu.enqueue_indirect_dma source(%arg15 : memref<250x16xf32, #tpu.memory_space<vmem>>) target(%dma_start3A_117 : memref<10000x16xf32, #tpu.memory_space<vmem_shared>>) offsets(%dma_start3A_114 : memref<250xi32, #tpu.memory_space<vmem>>) semaphore(%run_scoped3A_111 : memref<!tpu.dma_semaphore, #tpu.memory_space<semaphore_mem>>) {add = true}
        %dma_wait3A_118 = arith.constant 0 : i32
        %dma_wait3A_119 = tpu.memref_slice %arg10[%run_scoped3A_110, %dma_wait3A_118] : memref<5x250xi32, #tpu.memory_space<vmem>> -> memref<1x250xi32, #tpu.memory_space<vmem>>
        %dma_wait3A_120 = tpu.memref_squeeze %dma_wait3A_119 : memref<1x250xi32, #tpu.memory_space<vmem>> -> memref<250xi32, #tpu.memory_space<vmem>>
        %dma_wait3A_121 = arith.constant 0 : i32
        %dma_wait3A_122 = arith.constant 0 : i32
        %dma_wait3A_123 = tpu.memref_slice %arg8[%dma_wait3A_121, %dma_wait3A_122] : memref<10000x16xf32, #tpu.memory_space<vmem_shared>> -> memref<10000x16xf32, #tpu.memory_space<vmem_shared>>
        tpu.wait_indirect_dma semaphore(%run_scoped3A_111 : memref<!tpu.dma_semaphore, #tpu.memory_space<semaphore_mem>>) src(%arg15 : memref<250x16xf32, #tpu.memory_space<vmem>>) dst(%dma_wait3A_123 : memref<10000x16xf32, #tpu.memory_space<vmem_shared>>)
        tpu.yield
      }) : () -> ()
    }
    %scan3A_24 = arith.constant 8 : i32
    %barrier3A_25 = arith.constant 0 : index
    tpu.barrier barrier_id(%barrier3A_25)
    "tpu.region"() ({
      %run_scoped3A = tpu.sem_alloc : memref<!tpu.dma_semaphore, #tpu.memory_space<semaphore_mem>>
      %dma_start3A = arith.constant 0 : i32
      %dma_start3A_26 = tpu.memref_slice %arg5[%arg0, %mul3A_14, %dma_start3A] : memref<2x10000x128xbf16, #tpu.memory_space<hbm>> -> memref<1x625x128xbf16, #tpu.memory_space<hbm>>
      %dma_start3A_27 = tpu.memref_squeeze %dma_start3A_26 : memref<1x625x128xbf16, #tpu.memory_space<hbm>> -> memref<625x128xbf16, #tpu.memory_space<hbm>>
      %dma_start3A_28 = arith.constant 0 : i32
      %dma_start3A_29 = tpu.memref_slice %arg7[%mul3A_14, %dma_start3A_28] : memref<10000x128xbf16, #tpu.memory_space<vmem_shared>> -> memref<625x128xbf16, #tpu.memory_space<vmem_shared>>
      tpu.enqueue_dma source(%dma_start3A_29 : memref<625x128xbf16, #tpu.memory_space<vmem_shared>>) target(%dma_start3A_27 : memref<625x128xbf16, #tpu.memory_space<hbm>>) target_semaphore(%run_scoped3A : memref<!tpu.dma_semaphore, #tpu.memory_space<semaphore_mem>>)
      %dma_wait3A = arith.constant 0 : i32
      %dma_wait3A_30 = tpu.memref_slice %arg5[%arg0, %mul3A_14, %dma_wait3A] : memref<2x10000x128xbf16, #tpu.memory_space<hbm>> -> memref<1x625x128xbf16, #tpu.memory_space<hbm>>
      %dma_wait3A_31 = tpu.memref_squeeze %dma_wait3A_30 : memref<1x625x128xbf16, #tpu.memory_space<hbm>> -> memref<625x128xbf16, #tpu.memory_space<hbm>>
      %dma_wait3A_32 = arith.constant 0 : i32
      %dma_wait3A_33 = tpu.memref_slice %arg7[%mul3A_14, %dma_wait3A_32] : memref<10000x128xbf16, #tpu.memory_space<vmem_shared>> -> memref<625x128xbf16, #tpu.memory_space<vmem_shared>>
      tpu.wait_dma2 semaphore(%run_scoped3A : memref<!tpu.dma_semaphore, #tpu.memory_space<semaphore_mem>>) src(%dma_wait3A_33 : memref<625x128xbf16, #tpu.memory_space<vmem_shared>>) dst(%dma_wait3A_31 : memref<625x128xbf16, #tpu.memory_space<hbm>>)
      tpu.yield
    }) : () -> ()
    "tpu.region"() ({
      %run_scoped3A = tpu.sem_alloc : memref<!tpu.dma_semaphore, #tpu.memory_space<semaphore_mem>>
      %dma_start3A = arith.constant 0 : i32
      %dma_start3A_26 = tpu.memref_slice %arg6[%arg0, %mul3A_14, %dma_start3A] : memref<2x10000x16xf32, #tpu.memory_space<hbm>> -> memref<1x625x16xf32, #tpu.memory_space<hbm>>
      %dma_start3A_27 = tpu.memref_squeeze %dma_start3A_26 : memref<1x625x16xf32, #tpu.memory_space<hbm>> -> memref<625x16xf32, #tpu.memory_space<hbm>>
      %dma_start3A_28 = arith.constant 0 : i32
      %dma_start3A_29 = tpu.memref_slice %arg8[%mul3A_14, %dma_start3A_28] : memref<10000x16xf32, #tpu.memory_space<vmem_shared>> -> memref<625x16xf32, #tpu.memory_space<vmem_shared>>
      tpu.enqueue_dma source(%dma_start3A_29 : memref<625x16xf32, #tpu.memory_space<vmem_shared>>) target(%dma_start3A_27 : memref<625x16xf32, #tpu.memory_space<hbm>>) target_semaphore(%run_scoped3A : memref<!tpu.dma_semaphore, #tpu.memory_space<semaphore_mem>>)
      %dma_wait3A = arith.constant 0 : i32
      %dma_wait3A_30 = tpu.memref_slice %arg6[%arg0, %mul3A_14, %dma_wait3A] : memref<2x10000x16xf32, #tpu.memory_space<hbm>> -> memref<1x625x16xf32, #tpu.memory_space<hbm>>
      %dma_wait3A_31 = tpu.memref_squeeze %dma_wait3A_30 : memref<1x625x16xf32, #tpu.memory_space<hbm>> -> memref<625x16xf32, #tpu.memory_space<hbm>>
      %dma_wait3A_32 = arith.constant 0 : i32
      %dma_wait3A_33 = tpu.memref_slice %arg8[%mul3A_14, %dma_wait3A_32] : memref<10000x16xf32, #tpu.memory_space<vmem_shared>> -> memref<625x16xf32, #tpu.memory_space<vmem_shared>>
      tpu.wait_dma2 semaphore(%run_scoped3A : memref<!tpu.dma_semaphore, #tpu.memory_space<semaphore_mem>>) src(%dma_wait3A_33 : memref<625x16xf32, #tpu.memory_space<vmem_shared>>) dst(%dma_wait3A_31 : memref<625x16xf32, #tpu.memory_space<hbm>>)
      tpu.yield
    }) : () -> ()
    return
  }
}

#map = affine_map<(d0, d1) -> (0, 0)>
#map1 = affine_map<(d0, d1) -> (0, 0, 0, 0)>
#map2 = affine_map<(d0, d1) -> (0, 0, 0)>
module attributes {stable_mosaic.version = 14 : i64} {
  func.func @_sc_agg(%arg0: i32, %arg1: i32, %arg2: memref<10000x128xbf16, #tpu.memory_space<hbm>>, %arg3: memref<2x16x40x250xi32, #tpu.memory_space<hbm>>, %arg4: memref<2x16x40x250xi32, #tpu.memory_space<hbm>>, %arg5: memref<2x10000x128xbf16, #tpu.memory_space<hbm>>, %arg6: memref<10000x128xbf16, #tpu.memory_space<vmem_shared>>, %arg7: memref<5x250xi32, #tpu.memory_space<vmem>>, %arg8: memref<5x250xi32, #tpu.memory_space<vmem>>, %arg9: memref<250x128xbf16, #tpu.memory_space<vmem>>, %arg10: memref<250x128xbf16, #tpu.memory_space<vmem>>, %arg11: memref<25x128xbf16, #tpu.memory_space<vmem>>, %arg12: memref<!tpu.dma_semaphore, #tpu.memory_space<semaphore_mem>>, %arg13: memref<!tpu.dma_semaphore, #tpu.memory_space<semaphore_mem>>) attributes {dimension_semantics = [#tpu.dimension_semantics<core_parallel>, #tpu.dimension_semantics<subcore_parallel>], iteration_bounds = array<i64: 2, 16>, scalar_prefetch = 0 : i64, scratch_operands = 8 : i64, tpu.core_type = #tpu.core_type<sc_vector_subcore>, window_params = [{transform_indices = #map}, {transform_indices = #map1}, {transform_indices = #map1}, {transform_indices = #map2}]} {
    %scan3A = arith.constant 0 : i32
    %scan3A_0 = arith.constant 25 : i32
    %scan3A_1 = arith.addi %scan3A, %scan3A_0 : i32
    %scan3A_2 = arith.constant 1 : i32
    scf.for %scan3A_16 = %scan3A to %scan3A_1 step %scan3A_2  : i32 {
      %mul3A_17 = arith.constant 1 : i32
      %mul3A_18 = arith.muli %scan3A_16, %mul3A_17 : i32
      %add3A = arith.constant 0 : i32
      %add3A_19 = arith.addi %add3A, %mul3A_18 : i32
      %scan3A_20 = arith.constant 0 : i32
      %scan3A_21 = arith.constant 4 : i32
      %scan3A_22 = arith.addi %scan3A_20, %scan3A_21 : i32
      %scan3A_23 = arith.constant 1 : i32
      scf.for %scan3A_25 = %scan3A_20 to %scan3A_22 step %scan3A_23  : i32 {
        %mul3A_26 = arith.constant 32 : i32
        %mul3A_27 = arith.muli %scan3A_25, %mul3A_26 : i32
        %add3A_28 = arith.constant 0 : i32
        %add3A_29 = arith.addi %add3A_28, %mul3A_27 : i32
        %broadcast_in_dim3A = arith.constant 0.000000e+00 : bf16
        %broadcast_in_dim3A_30 = vector.broadcast %broadcast_in_dim3A : bf16 to vector<32xbf16>
        %swap3A = arith.index_cast %add3A_19 : i32 to index
        %swap3A_31 = arith.index_cast %add3A_29 : i32 to index
        %swap3A_32 = tpu.vector_load %arg11[%swap3A, %swap3A_31] {strides = array<i32>} : memref<25x128xbf16, #tpu.memory_space<vmem>>, vector<1x32xbf16>,
        %swap3A_33 = vector.shape_cast %swap3A_32 : vector<1x32xbf16> to vector<32xbf16>
        %swap3A_34 = vector.shape_cast %broadcast_in_dim3A_30 : vector<32xbf16> to vector<1x32xbf16>
        tpu.vector_store %arg11[%swap3A, %swap3A_31], %swap3A_34 {strides = array<i32>} : memref<25x128xbf16, #tpu.memory_space<vmem>>, vector<1x32xbf16>,
      }
      %scan3A_24 = arith.constant 4 : i32
    }
    %scan3A_3 = arith.constant 25 : i32
    %mul3A = arith.constant 625 : i32
    %mul3A_4 = arith.muli %arg1, %mul3A : i32
    %scan3A_5 = arith.constant 0 : i32
    %scan3A_6 = arith.constant 25 : i32
    %scan3A_7 = arith.addi %scan3A_5, %scan3A_6 : i32
    %scan3A_8 = arith.constant 1 : i32
    scf.for %scan3A_16 = %scan3A_5 to %scan3A_7 step %scan3A_8  : i32 {
      %mul3A_17 = arith.constant 1 : i32
      %mul3A_18 = arith.muli %scan3A_16, %mul3A_17 : i32
      %add3A = arith.constant 0 : i32
      %add3A_19 = arith.addi %add3A, %mul3A_18 : i32
      %mul3A_20 = arith.constant 25 : i32
      %mul3A_21 = arith.muli %add3A_19, %mul3A_20 : i32
      %add3A_22 = arith.addi %mul3A_4, %mul3A_21 : i32
      "tpu.region"() ({
        %run_scoped3A = tpu.sem_alloc : memref<!tpu.dma_semaphore, #tpu.memory_space<semaphore_mem>>
        %dma_start3A = arith.constant 0 : i32
        %dma_start3A_23 = tpu.memref_slice %arg6[%add3A_22, %dma_start3A] : memref<10000x128xbf16, #tpu.memory_space<vmem_shared>> -> memref<25x128xbf16, #tpu.memory_space<vmem_shared>>
        %dma_start3A_24 = arith.constant 0 : i32
        %dma_start3A_25 = tpu.memref_slice %arg6[%add3A_22, %dma_start3A_24] : memref<10000x128xbf16, #tpu.memory_space<vmem_shared>> -> memref<25x128xbf16, #tpu.memory_space<vmem_shared>>
        tpu.enqueue_dma source(%arg11 : memref<25x128xbf16, #tpu.memory_space<vmem>>) target(%dma_start3A_25 : memref<25x128xbf16, #tpu.memory_space<vmem_shared>>) target_semaphore(%run_scoped3A : memref<!tpu.dma_semaphore, #tpu.memory_space<semaphore_mem>>)
        %dma_wait3A = arith.constant 0 : i32
        %dma_wait3A_26 = tpu.memref_slice %arg6[%add3A_22, %dma_wait3A] : memref<10000x128xbf16, #tpu.memory_space<vmem_shared>> -> memref<25x128xbf16, #tpu.memory_space<vmem_shared>>
        %dma_wait3A_27 = arith.constant 0 : i32
        %dma_wait3A_28 = tpu.memref_slice %arg6[%add3A_22, %dma_wait3A_27] : memref<10000x128xbf16, #tpu.memory_space<vmem_shared>> -> memref<25x128xbf16, #tpu.memory_space<vmem_shared>>
        tpu.wait_dma2 semaphore(%run_scoped3A : memref<!tpu.dma_semaphore, #tpu.memory_space<semaphore_mem>>) src(%arg11 : memref<25x128xbf16, #tpu.memory_space<vmem>>) dst(%dma_wait3A_28 : memref<25x128xbf16, #tpu.memory_space<vmem_shared>>)
        tpu.yield
      }) : () -> ()
    }
    %scan3A_9 = arith.constant 25 : i32
    %barrier3A = arith.constant 0 : index
    tpu.barrier barrier_id(%barrier3A)
    %scan3A_10 = arith.constant 0 : i32
    %scan3A_11 = arith.constant 8 : i32
    %scan3A_12 = arith.addi %scan3A_10, %scan3A_11 : i32
    %scan3A_13 = arith.constant 1 : i32
    scf.for %scan3A_16 = %scan3A_10 to %scan3A_12 step %scan3A_13  : i32 {
      %mul3A_17 = arith.constant 1 : i32
      %mul3A_18 = arith.muli %scan3A_16, %mul3A_17 : i32
      %add3A = arith.constant 0 : i32
      %add3A_19 = arith.addi %add3A, %mul3A_18 : i32
      %mul3A_20 = arith.constant 5 : i32
      %mul3A_21 = arith.muli %add3A_19, %mul3A_20 : i32
      "tpu.region"() ({
        %run_scoped3A_96 = tpu.sem_alloc : memref<!tpu.dma_semaphore, #tpu.memory_space<semaphore_mem>>
        %dma_start3A_97 = arith.constant 0 : i32
        %dma_start3A_98 = tpu.memref_slice %arg3[%arg0, %arg1, %mul3A_21, %dma_start3A_97] : memref<2x16x40x250xi32, #tpu.memory_space<hbm>> -> memref<1x1x5x250xi32, #tpu.memory_space<hbm>>
        %dma_start3A_99 = tpu.memref_squeeze %dma_start3A_98 : memref<1x1x5x250xi32, #tpu.memory_space<hbm>> -> memref<5x250xi32, #tpu.memory_space<hbm>>
        %dma_start3A_100 = arith.constant 0 : i32
        %dma_start3A_101 = tpu.memref_slice %arg3[%arg0, %arg1, %mul3A_21, %dma_start3A_100] : memref<2x16x40x250xi32, #tpu.memory_space<hbm>> -> memref<1x1x5x250xi32, #tpu.memory_space<hbm>>
        %dma_start3A_102 = tpu.memref_squeeze %dma_start3A_101 : memref<1x1x5x250xi32, #tpu.memory_space<hbm>> -> memref<5x250xi32, #tpu.memory_space<hbm>>
        tpu.enqueue_dma source(%dma_start3A_102 : memref<5x250xi32, #tpu.memory_space<hbm>>) target(%arg7 : memref<5x250xi32, #tpu.memory_space<vmem>>) target_semaphore(%run_scoped3A_96 : memref<!tpu.dma_semaphore, #tpu.memory_space<semaphore_mem>>)
        %dma_wait3A_103 = arith.constant 0 : i32
        %dma_wait3A_104 = tpu.memref_slice %arg3[%arg0, %arg1, %mul3A_21, %dma_wait3A_103] : memref<2x16x40x250xi32, #tpu.memory_space<hbm>> -> memref<1x1x5x250xi32, #tpu.memory_space<hbm>>
        %dma_wait3A_105 = tpu.memref_squeeze %dma_wait3A_104 : memref<1x1x5x250xi32, #tpu.memory_space<hbm>> -> memref<5x250xi32, #tpu.memory_space<hbm>>
        %dma_wait3A_106 = arith.constant 0 : i32
        %dma_wait3A_107 = tpu.memref_slice %arg3[%arg0, %arg1, %mul3A_21, %dma_wait3A_106] : memref<2x16x40x250xi32, #tpu.memory_space<hbm>> -> memref<1x1x5x250xi32, #tpu.memory_space<hbm>>
        %dma_wait3A_108 = tpu.memref_squeeze %dma_wait3A_107 : memref<1x1x5x250xi32, #tpu.memory_space<hbm>> -> memref<5x250xi32, #tpu.memory_space<hbm>>
        tpu.wait_dma2 semaphore(%run_scoped3A_96 : memref<!tpu.dma_semaphore, #tpu.memory_space<semaphore_mem>>) src(%dma_wait3A_108 : memref<5x250xi32, #tpu.memory_space<hbm>>) dst(%arg7 : memref<5x250xi32, #tpu.memory_space<vmem>>)
        tpu.yield
      }) : () -> ()
      %mul3A_22 = arith.constant 5 : i32
      %mul3A_23 = arith.muli %add3A_19, %mul3A_22 : i32
      "tpu.region"() ({
        %run_scoped3A_96 = tpu.sem_alloc : memref<!tpu.dma_semaphore, #tpu.memory_space<semaphore_mem>>
        %dma_start3A_97 = arith.constant 0 : i32
        %dma_start3A_98 = tpu.memref_slice %arg4[%arg0, %arg1, %mul3A_23, %dma_start3A_97] : memref<2x16x40x250xi32, #tpu.memory_space<hbm>> -> memref<1x1x5x250xi32, #tpu.memory_space<hbm>>
        %dma_start3A_99 = tpu.memref_squeeze %dma_start3A_98 : memref<1x1x5x250xi32, #tpu.memory_space<hbm>> -> memref<5x250xi32, #tpu.memory_space<hbm>>
        %dma_start3A_100 = arith.constant 0 : i32
        %dma_start3A_101 = tpu.memref_slice %arg4[%arg0, %arg1, %mul3A_23, %dma_start3A_100] : memref<2x16x40x250xi32, #tpu.memory_space<hbm>> -> memref<1x1x5x250xi32, #tpu.memory_space<hbm>>
        %dma_start3A_102 = tpu.memref_squeeze %dma_start3A_101 : memref<1x1x5x250xi32, #tpu.memory_space<hbm>> -> memref<5x250xi32, #tpu.memory_space<hbm>>
        tpu.enqueue_dma source(%dma_start3A_102 : memref<5x250xi32, #tpu.memory_space<hbm>>) target(%arg8 : memref<5x250xi32, #tpu.memory_space<vmem>>) target_semaphore(%run_scoped3A_96 : memref<!tpu.dma_semaphore, #tpu.memory_space<semaphore_mem>>)
        %dma_wait3A_103 = arith.constant 0 : i32
        %dma_wait3A_104 = tpu.memref_slice %arg4[%arg0, %arg1, %mul3A_23, %dma_wait3A_103] : memref<2x16x40x250xi32, #tpu.memory_space<hbm>> -> memref<1x1x5x250xi32, #tpu.memory_space<hbm>>
        %dma_wait3A_105 = tpu.memref_squeeze %dma_wait3A_104 : memref<1x1x5x250xi32, #tpu.memory_space<hbm>> -> memref<5x250xi32, #tpu.memory_space<hbm>>
        %dma_wait3A_106 = arith.constant 0 : i32
        %dma_wait3A_107 = tpu.memref_slice %arg4[%arg0, %arg1, %mul3A_23, %dma_wait3A_106] : memref<2x16x40x250xi32, #tpu.memory_space<hbm>> -> memref<1x1x5x250xi32, #tpu.memory_space<hbm>>
        %dma_wait3A_108 = tpu.memref_squeeze %dma_wait3A_107 : memref<1x1x5x250xi32, #tpu.memory_space<hbm>> -> memref<5x250xi32, #tpu.memory_space<hbm>>
        tpu.wait_dma2 semaphore(%run_scoped3A_96 : memref<!tpu.dma_semaphore, #tpu.memory_space<semaphore_mem>>) src(%dma_wait3A_108 : memref<5x250xi32, #tpu.memory_space<hbm>>) dst(%arg8 : memref<5x250xi32, #tpu.memory_space<vmem>>)
        tpu.yield
      }) : () -> ()
      %dma_start3A = arith.constant 0 : i32
      %dma_start3A_24 = arith.constant 0 : i32
      %dma_start3A_25 = tpu.memref_slice %arg7[%dma_start3A, %dma_start3A_24] : memref<5x250xi32, #tpu.memory_space<vmem>> -> memref<1x250xi32, #tpu.memory_space<vmem>>
      %dma_start3A_26 = tpu.memref_squeeze %dma_start3A_25 : memref<1x250xi32, #tpu.memory_space<vmem>> -> memref<250xi32, #tpu.memory_space<vmem>>
      %dma_start3A_27 = arith.constant 0 : i32
      %dma_start3A_28 = arith.constant 0 : i32
      %dma_start3A_29 = tpu.memref_slice %arg2[%dma_start3A_27, %dma_start3A_28] : memref<10000x128xbf16, #tpu.memory_space<hbm>> -> memref<10000x128xbf16, #tpu.memory_space<hbm>>
      tpu.enqueue_indirect_dma source(%dma_start3A_29 : memref<10000x128xbf16, #tpu.memory_space<hbm>>) target(%arg9 : memref<250x128xbf16, #tpu.memory_space<vmem>>) offsets(%dma_start3A_26 : memref<250xi32, #tpu.memory_space<vmem>>) semaphore(%arg12 : memref<!tpu.dma_semaphore, #tpu.memory_space<semaphore_mem>>)
      %dma_start3A_30 = arith.constant 1 : i32
      %dma_start3A_31 = arith.constant 0 : i32
      %dma_start3A_32 = tpu.memref_slice %arg7[%dma_start3A_30, %dma_start3A_31] : memref<5x250xi32, #tpu.memory_space<vmem>> -> memref<1x250xi32, #tpu.memory_space<vmem>>
      %dma_start3A_33 = tpu.memref_squeeze %dma_start3A_32 : memref<1x250xi32, #tpu.memory_space<vmem>> -> memref<250xi32, #tpu.memory_space<vmem>>
      %dma_start3A_34 = arith.constant 0 : i32
      %dma_start3A_35 = arith.constant 0 : i32
      %dma_start3A_36 = tpu.memref_slice %arg2[%dma_start3A_34, %dma_start3A_35] : memref<10000x128xbf16, #tpu.memory_space<hbm>> -> memref<10000x128xbf16, #tpu.memory_space<hbm>>
      tpu.enqueue_indirect_dma source(%dma_start3A_36 : memref<10000x128xbf16, #tpu.memory_space<hbm>>) target(%arg10 : memref<250x128xbf16, #tpu.memory_space<vmem>>) offsets(%dma_start3A_33 : memref<250xi32, #tpu.memory_space<vmem>>) semaphore(%arg13 : memref<!tpu.dma_semaphore, #tpu.memory_space<semaphore_mem>>)
      %dma_wait3A = arith.constant 0 : i32
      %dma_wait3A_37 = arith.constant 0 : i32
      %dma_wait3A_38 = tpu.memref_slice %arg7[%dma_wait3A, %dma_wait3A_37] : memref<5x250xi32, #tpu.memory_space<vmem>> -> memref<1x250xi32, #tpu.memory_space<vmem>>
      %dma_wait3A_39 = tpu.memref_squeeze %dma_wait3A_38 : memref<1x250xi32, #tpu.memory_space<vmem>> -> memref<250xi32, #tpu.memory_space<vmem>>
      %dma_wait3A_40 = arith.constant 0 : i32
      %dma_wait3A_41 = arith.constant 0 : i32
      %dma_wait3A_42 = tpu.memref_slice %arg2[%dma_wait3A_40, %dma_wait3A_41] : memref<10000x128xbf16, #tpu.memory_space<hbm>> -> memref<10000x128xbf16, #tpu.memory_space<hbm>>
      tpu.wait_indirect_dma semaphore(%arg12 : memref<!tpu.dma_semaphore, #tpu.memory_space<semaphore_mem>>) src(%dma_wait3A_42 : memref<10000x128xbf16, #tpu.memory_space<hbm>>) dst(%arg9 : memref<250x128xbf16, #tpu.memory_space<vmem>>)
      %run_scoped3A = arith.constant 0 : i32
      "tpu.region"() ({
        %run_scoped3A_96 = tpu.sem_alloc : memref<!tpu.dma_semaphore, #tpu.memory_space<semaphore_mem>>
        %dma_start3A_97 = arith.constant 0 : i32
        %dma_start3A_98 = tpu.memref_slice %arg8[%run_scoped3A, %dma_start3A_97] : memref<5x250xi32, #tpu.memory_space<vmem>> -> memref<1x250xi32, #tpu.memory_space<vmem>>
        %dma_start3A_99 = tpu.memref_squeeze %dma_start3A_98 : memref<1x250xi32, #tpu.memory_space<vmem>> -> memref<250xi32, #tpu.memory_space<vmem>>
        %dma_start3A_100 = arith.constant 0 : i32
        %dma_start3A_101 = arith.constant 0 : i32
        %dma_start3A_102 = tpu.memref_slice %arg6[%dma_start3A_100, %dma_start3A_101] : memref<10000x128xbf16, #tpu.memory_space<vmem_shared>> -> memref<10000x128xbf16, #tpu.memory_space<vmem_shared>>
        tpu.enqueue_indirect_dma source(%arg9 : memref<250x128xbf16, #tpu.memory_space<vmem>>) target(%dma_start3A_102 : memref<10000x128xbf16, #tpu.memory_space<vmem_shared>>) offsets(%dma_start3A_99 : memref<250xi32, #tpu.memory_space<vmem>>) semaphore(%run_scoped3A_96 : memref<!tpu.dma_semaphore, #tpu.memory_space<semaphore_mem>>) {add = true}
        %dma_wait3A_103 = arith.constant 0 : i32
        %dma_wait3A_104 = tpu.memref_slice %arg8[%run_scoped3A, %dma_wait3A_103] : memref<5x250xi32, #tpu.memory_space<vmem>> -> memref<1x250xi32, #tpu.memory_space<vmem>>
        %dma_wait3A_105 = tpu.memref_squeeze %dma_wait3A_104 : memref<1x250xi32, #tpu.memory_space<vmem>> -> memref<250xi32, #tpu.memory_space<vmem>>
        %dma_wait3A_106 = arith.constant 0 : i32
        %dma_wait3A_107 = arith.constant 0 : i32
        %dma_wait3A_108 = tpu.memref_slice %arg6[%dma_wait3A_106, %dma_wait3A_107] : memref<10000x128xbf16, #tpu.memory_space<vmem_shared>> -> memref<10000x128xbf16, #tpu.memory_space<vmem_shared>>
        tpu.wait_indirect_dma semaphore(%run_scoped3A_96 : memref<!tpu.dma_semaphore, #tpu.memory_space<semaphore_mem>>) src(%arg9 : memref<250x128xbf16, #tpu.memory_space<vmem>>) dst(%dma_wait3A_108 : memref<10000x128xbf16, #tpu.memory_space<vmem_shared>>)
        tpu.yield
      }) : () -> ()
      %dma_start3A_43 = arith.constant 2 : i32
      %dma_start3A_44 = arith.constant 0 : i32
      %dma_start3A_45 = tpu.memref_slice %arg7[%dma_start3A_43, %dma_start3A_44] : memref<5x250xi32, #tpu.memory_space<vmem>> -> memref<1x250xi32, #tpu.memory_space<vmem>>
      %dma_start3A_46 = tpu.memref_squeeze %dma_start3A_45 : memref<1x250xi32, #tpu.memory_space<vmem>> -> memref<250xi32, #tpu.memory_space<vmem>>
      %dma_start3A_47 = arith.constant 0 : i32
      %dma_start3A_48 = arith.constant 0 : i32
      %dma_start3A_49 = tpu.memref_slice %arg2[%dma_start3A_47, %dma_start3A_48] : memref<10000x128xbf16, #tpu.memory_space<hbm>> -> memref<10000x128xbf16, #tpu.memory_space<hbm>>
      tpu.enqueue_indirect_dma source(%dma_start3A_49 : memref<10000x128xbf16, #tpu.memory_space<hbm>>) target(%arg9 : memref<250x128xbf16, #tpu.memory_space<vmem>>) offsets(%dma_start3A_46 : memref<250xi32, #tpu.memory_space<vmem>>) semaphore(%arg12 : memref<!tpu.dma_semaphore, #tpu.memory_space<semaphore_mem>>)
      %dma_wait3A_50 = arith.constant 1 : i32
      %dma_wait3A_51 = arith.constant 0 : i32
      %dma_wait3A_52 = tpu.memref_slice %arg7[%dma_wait3A_50, %dma_wait3A_51] : memref<5x250xi32, #tpu.memory_space<vmem>> -> memref<1x250xi32, #tpu.memory_space<vmem>>
      %dma_wait3A_53 = tpu.memref_squeeze %dma_wait3A_52 : memref<1x250xi32, #tpu.memory_space<vmem>> -> memref<250xi32, #tpu.memory_space<vmem>>
      %dma_wait3A_54 = arith.constant 0 : i32
      %dma_wait3A_55 = arith.constant 0 : i32
      %dma_wait3A_56 = tpu.memref_slice %arg2[%dma_wait3A_54, %dma_wait3A_55] : memref<10000x128xbf16, #tpu.memory_space<hbm>> -> memref<10000x128xbf16, #tpu.memory_space<hbm>>
      tpu.wait_indirect_dma semaphore(%arg13 : memref<!tpu.dma_semaphore, #tpu.memory_space<semaphore_mem>>) src(%dma_wait3A_56 : memref<10000x128xbf16, #tpu.memory_space<hbm>>) dst(%arg10 : memref<250x128xbf16, #tpu.memory_space<vmem>>)
      %run_scoped3A_57 = arith.constant 1 : i32
      "tpu.region"() ({
        %run_scoped3A_96 = tpu.sem_alloc : memref<!tpu.dma_semaphore, #tpu.memory_space<semaphore_mem>>
        %dma_start3A_97 = arith.constant 0 : i32
        %dma_start3A_98 = tpu.memref_slice %arg8[%run_scoped3A_57, %dma_start3A_97] : memref<5x250xi32, #tpu.memory_space<vmem>> -> memref<1x250xi32, #tpu.memory_space<vmem>>
        %dma_start3A_99 = tpu.memref_squeeze %dma_start3A_98 : memref<1x250xi32, #tpu.memory_space<vmem>> -> memref<250xi32, #tpu.memory_space<vmem>>
        %dma_start3A_100 = arith.constant 0 : i32
        %dma_start3A_101 = arith.constant 0 : i32
        %dma_start3A_102 = tpu.memref_slice %arg6[%dma_start3A_100, %dma_start3A_101] : memref<10000x128xbf16, #tpu.memory_space<vmem_shared>> -> memref<10000x128xbf16, #tpu.memory_space<vmem_shared>>
        tpu.enqueue_indirect_dma source(%arg10 : memref<250x128xbf16, #tpu.memory_space<vmem>>) target(%dma_start3A_102 : memref<10000x128xbf16, #tpu.memory_space<vmem_shared>>) offsets(%dma_start3A_99 : memref<250xi32, #tpu.memory_space<vmem>>) semaphore(%run_scoped3A_96 : memref<!tpu.dma_semaphore, #tpu.memory_space<semaphore_mem>>) {add = true}
        %dma_wait3A_103 = arith.constant 0 : i32
        %dma_wait3A_104 = tpu.memref_slice %arg8[%run_scoped3A_57, %dma_wait3A_103] : memref<5x250xi32, #tpu.memory_space<vmem>> -> memref<1x250xi32, #tpu.memory_space<vmem>>
        %dma_wait3A_105 = tpu.memref_squeeze %dma_wait3A_104 : memref<1x250xi32, #tpu.memory_space<vmem>> -> memref<250xi32, #tpu.memory_space<vmem>>
        %dma_wait3A_106 = arith.constant 0 : i32
        %dma_wait3A_107 = arith.constant 0 : i32
        %dma_wait3A_108 = tpu.memref_slice %arg6[%dma_wait3A_106, %dma_wait3A_107] : memref<10000x128xbf16, #tpu.memory_space<vmem_shared>> -> memref<10000x128xbf16, #tpu.memory_space<vmem_shared>>
        tpu.wait_indirect_dma semaphore(%run_scoped3A_96 : memref<!tpu.dma_semaphore, #tpu.memory_space<semaphore_mem>>) src(%arg10 : memref<250x128xbf16, #tpu.memory_space<vmem>>) dst(%dma_wait3A_108 : memref<10000x128xbf16, #tpu.memory_space<vmem_shared>>)
        tpu.yield
      }) : () -> ()
      %dma_start3A_58 = arith.constant 3 : i32
      %dma_start3A_59 = arith.constant 0 : i32
      %dma_start3A_60 = tpu.memref_slice %arg7[%dma_start3A_58, %dma_start3A_59] : memref<5x250xi32, #tpu.memory_space<vmem>> -> memref<1x250xi32, #tpu.memory_space<vmem>>
      %dma_start3A_61 = tpu.memref_squeeze %dma_start3A_60 : memref<1x250xi32, #tpu.memory_space<vmem>> -> memref<250xi32, #tpu.memory_space<vmem>>
      %dma_start3A_62 = arith.constant 0 : i32
      %dma_start3A_63 = arith.constant 0 : i32
      %dma_start3A_64 = tpu.memref_slice %arg2[%dma_start3A_62, %dma_start3A_63] : memref<10000x128xbf16, #tpu.memory_space<hbm>> -> memref<10000x128xbf16, #tpu.memory_space<hbm>>
      tpu.enqueue_indirect_dma source(%dma_start3A_64 : memref<10000x128xbf16, #tpu.memory_space<hbm>>) target(%arg10 : memref<250x128xbf16, #tpu.memory_space<vmem>>) offsets(%dma_start3A_61 : memref<250xi32, #tpu.memory_space<vmem>>) semaphore(%arg13 : memref<!tpu.dma_semaphore, #tpu.memory_space<semaphore_mem>>)
      %dma_wait3A_65 = arith.constant 2 : i32
      %dma_wait3A_66 = arith.constant 0 : i32
      %dma_wait3A_67 = tpu.memref_slice %arg7[%dma_wait3A_65, %dma_wait3A_66] : memref<5x250xi32, #tpu.memory_space<vmem>> -> memref<1x250xi32, #tpu.memory_space<vmem>>
      %dma_wait3A_68 = tpu.memref_squeeze %dma_wait3A_67 : memref<1x250xi32, #tpu.memory_space<vmem>> -> memref<250xi32, #tpu.memory_space<vmem>>
      %dma_wait3A_69 = arith.constant 0 : i32
      %dma_wait3A_70 = arith.constant 0 : i32
      %dma_wait3A_71 = tpu.memref_slice %arg2[%dma_wait3A_69, %dma_wait3A_70] : memref<10000x128xbf16, #tpu.memory_space<hbm>> -> memref<10000x128xbf16, #tpu.memory_space<hbm>>
      tpu.wait_indirect_dma semaphore(%arg12 : memref<!tpu.dma_semaphore, #tpu.memory_space<semaphore_mem>>) src(%dma_wait3A_71 : memref<10000x128xbf16, #tpu.memory_space<hbm>>) dst(%arg9 : memref<250x128xbf16, #tpu.memory_space<vmem>>)
      %run_scoped3A_72 = arith.constant 2 : i32
      "tpu.region"() ({
        %run_scoped3A_96 = tpu.sem_alloc : memref<!tpu.dma_semaphore, #tpu.memory_space<semaphore_mem>>
        %dma_start3A_97 = arith.constant 0 : i32
        %dma_start3A_98 = tpu.memref_slice %arg8[%run_scoped3A_72, %dma_start3A_97] : memref<5x250xi32, #tpu.memory_space<vmem>> -> memref<1x250xi32, #tpu.memory_space<vmem>>
        %dma_start3A_99 = tpu.memref_squeeze %dma_start3A_98 : memref<1x250xi32, #tpu.memory_space<vmem>> -> memref<250xi32, #tpu.memory_space<vmem>>
        %dma_start3A_100 = arith.constant 0 : i32
        %dma_start3A_101 = arith.constant 0 : i32
        %dma_start3A_102 = tpu.memref_slice %arg6[%dma_start3A_100, %dma_start3A_101] : memref<10000x128xbf16, #tpu.memory_space<vmem_shared>> -> memref<10000x128xbf16, #tpu.memory_space<vmem_shared>>
        tpu.enqueue_indirect_dma source(%arg9 : memref<250x128xbf16, #tpu.memory_space<vmem>>) target(%dma_start3A_102 : memref<10000x128xbf16, #tpu.memory_space<vmem_shared>>) offsets(%dma_start3A_99 : memref<250xi32, #tpu.memory_space<vmem>>) semaphore(%run_scoped3A_96 : memref<!tpu.dma_semaphore, #tpu.memory_space<semaphore_mem>>) {add = true}
        %dma_wait3A_103 = arith.constant 0 : i32
        %dma_wait3A_104 = tpu.memref_slice %arg8[%run_scoped3A_72, %dma_wait3A_103] : memref<5x250xi32, #tpu.memory_space<vmem>> -> memref<1x250xi32, #tpu.memory_space<vmem>>
        %dma_wait3A_105 = tpu.memref_squeeze %dma_wait3A_104 : memref<1x250xi32, #tpu.memory_space<vmem>> -> memref<250xi32, #tpu.memory_space<vmem>>
        %dma_wait3A_106 = arith.constant 0 : i32
        %dma_wait3A_107 = arith.constant 0 : i32
        %dma_wait3A_108 = tpu.memref_slice %arg6[%dma_wait3A_106, %dma_wait3A_107] : memref<10000x128xbf16, #tpu.memory_space<vmem_shared>> -> memref<10000x128xbf16, #tpu.memory_space<vmem_shared>>
        tpu.wait_indirect_dma semaphore(%run_scoped3A_96 : memref<!tpu.dma_semaphore, #tpu.memory_space<semaphore_mem>>) src(%arg9 : memref<250x128xbf16, #tpu.memory_space<vmem>>) dst(%dma_wait3A_108 : memref<10000x128xbf16, #tpu.memory_space<vmem_shared>>)
        tpu.yield
      }) : () -> ()
      %dma_start3A_73 = arith.constant 4 : i32
      %dma_start3A_74 = arith.constant 0 : i32
      %dma_start3A_75 = tpu.memref_slice %arg7[%dma_start3A_73, %dma_start3A_74] : memref<5x250xi32, #tpu.memory_space<vmem>> -> memref<1x250xi32, #tpu.memory_space<vmem>>
      %dma_start3A_76 = tpu.memref_squeeze %dma_start3A_75 : memref<1x250xi32, #tpu.memory_space<vmem>> -> memref<250xi32, #tpu.memory_space<vmem>>
      %dma_start3A_77 = arith.constant 0 : i32
      %dma_start3A_78 = arith.constant 0 : i32
      %dma_start3A_79 = tpu.memref_slice %arg2[%dma_start3A_77, %dma_start3A_78] : memref<10000x128xbf16, #tpu.memory_space<hbm>> -> memref<10000x128xbf16, #tpu.memory_space<hbm>>
      tpu.enqueue_indirect_dma source(%dma_start3A_79 : memref<10000x128xbf16, #tpu.memory_space<hbm>>) target(%arg9 : memref<250x128xbf16, #tpu.memory_space<vmem>>) offsets(%dma_start3A_76 : memref<250xi32, #tpu.memory_space<vmem>>) semaphore(%arg12 : memref<!tpu.dma_semaphore, #tpu.memory_space<semaphore_mem>>)
      %dma_wait3A_80 = arith.constant 3 : i32
      %dma_wait3A_81 = arith.constant 0 : i32
      %dma_wait3A_82 = tpu.memref_slice %arg7[%dma_wait3A_80, %dma_wait3A_81] : memref<5x250xi32, #tpu.memory_space<vmem>> -> memref<1x250xi32, #tpu.memory_space<vmem>>
      %dma_wait3A_83 = tpu.memref_squeeze %dma_wait3A_82 : memref<1x250xi32, #tpu.memory_space<vmem>> -> memref<250xi32, #tpu.memory_space<vmem>>
      %dma_wait3A_84 = arith.constant 0 : i32
      %dma_wait3A_85 = arith.constant 0 : i32
      %dma_wait3A_86 = tpu.memref_slice %arg2[%dma_wait3A_84, %dma_wait3A_85] : memref<10000x128xbf16, #tpu.memory_space<hbm>> -> memref<10000x128xbf16, #tpu.memory_space<hbm>>
      tpu.wait_indirect_dma semaphore(%arg13 : memref<!tpu.dma_semaphore, #tpu.memory_space<semaphore_mem>>) src(%dma_wait3A_86 : memref<10000x128xbf16, #tpu.memory_space<hbm>>) dst(%arg10 : memref<250x128xbf16, #tpu.memory_space<vmem>>)
      %run_scoped3A_87 = arith.constant 3 : i32
      "tpu.region"() ({
        %run_scoped3A_96 = tpu.sem_alloc : memref<!tpu.dma_semaphore, #tpu.memory_space<semaphore_mem>>
        %dma_start3A_97 = arith.constant 0 : i32
        %dma_start3A_98 = tpu.memref_slice %arg8[%run_scoped3A_87, %dma_start3A_97] : memref<5x250xi32, #tpu.memory_space<vmem>> -> memref<1x250xi32, #tpu.memory_space<vmem>>
        %dma_start3A_99 = tpu.memref_squeeze %dma_start3A_98 : memref<1x250xi32, #tpu.memory_space<vmem>> -> memref<250xi32, #tpu.memory_space<vmem>>
        %dma_start3A_100 = arith.constant 0 : i32
        %dma_start3A_101 = arith.constant 0 : i32
        %dma_start3A_102 = tpu.memref_slice %arg6[%dma_start3A_100, %dma_start3A_101] : memref<10000x128xbf16, #tpu.memory_space<vmem_shared>> -> memref<10000x128xbf16, #tpu.memory_space<vmem_shared>>
        tpu.enqueue_indirect_dma source(%arg10 : memref<250x128xbf16, #tpu.memory_space<vmem>>) target(%dma_start3A_102 : memref<10000x128xbf16, #tpu.memory_space<vmem_shared>>) offsets(%dma_start3A_99 : memref<250xi32, #tpu.memory_space<vmem>>) semaphore(%run_scoped3A_96 : memref<!tpu.dma_semaphore, #tpu.memory_space<semaphore_mem>>) {add = true}
        %dma_wait3A_103 = arith.constant 0 : i32
        %dma_wait3A_104 = tpu.memref_slice %arg8[%run_scoped3A_87, %dma_wait3A_103] : memref<5x250xi32, #tpu.memory_space<vmem>> -> memref<1x250xi32, #tpu.memory_space<vmem>>
        %dma_wait3A_105 = tpu.memref_squeeze %dma_wait3A_104 : memref<1x250xi32, #tpu.memory_space<vmem>> -> memref<250xi32, #tpu.memory_space<vmem>>
        %dma_wait3A_106 = arith.constant 0 : i32
        %dma_wait3A_107 = arith.constant 0 : i32
        %dma_wait3A_108 = tpu.memref_slice %arg6[%dma_wait3A_106, %dma_wait3A_107] : memref<10000x128xbf16, #tpu.memory_space<vmem_shared>> -> memref<10000x128xbf16, #tpu.memory_space<vmem_shared>>
        tpu.wait_indirect_dma semaphore(%run_scoped3A_96 : memref<!tpu.dma_semaphore, #tpu.memory_space<semaphore_mem>>) src(%arg10 : memref<250x128xbf16, #tpu.memory_space<vmem>>) dst(%dma_wait3A_108 : memref<10000x128xbf16, #tpu.memory_space<vmem_shared>>)
        tpu.yield
      }) : () -> ()
      %dma_wait3A_88 = arith.constant 4 : i32
      %dma_wait3A_89 = arith.constant 0 : i32
      %dma_wait3A_90 = tpu.memref_slice %arg7[%dma_wait3A_88, %dma_wait3A_89] : memref<5x250xi32, #tpu.memory_space<vmem>> -> memref<1x250xi32, #tpu.memory_space<vmem>>
      %dma_wait3A_91 = tpu.memref_squeeze %dma_wait3A_90 : memref<1x250xi32, #tpu.memory_space<vmem>> -> memref<250xi32, #tpu.memory_space<vmem>>
      %dma_wait3A_92 = arith.constant 0 : i32
      %dma_wait3A_93 = arith.constant 0 : i32
      %dma_wait3A_94 = tpu.memref_slice %arg2[%dma_wait3A_92, %dma_wait3A_93] : memref<10000x128xbf16, #tpu.memory_space<hbm>> -> memref<10000x128xbf16, #tpu.memory_space<hbm>>
      tpu.wait_indirect_dma semaphore(%arg12 : memref<!tpu.dma_semaphore, #tpu.memory_space<semaphore_mem>>) src(%dma_wait3A_94 : memref<10000x128xbf16, #tpu.memory_space<hbm>>) dst(%arg9 : memref<250x128xbf16, #tpu.memory_space<vmem>>)
      %run_scoped3A_95 = arith.constant 4 : i32
      "tpu.region"() ({
        %run_scoped3A_96 = tpu.sem_alloc : memref<!tpu.dma_semaphore, #tpu.memory_space<semaphore_mem>>
        %dma_start3A_97 = arith.constant 0 : i32
        %dma_start3A_98 = tpu.memref_slice %arg8[%run_scoped3A_95, %dma_start3A_97] : memref<5x250xi32, #tpu.memory_space<vmem>> -> memref<1x250xi32, #tpu.memory_space<vmem>>
        %dma_start3A_99 = tpu.memref_squeeze %dma_start3A_98 : memref<1x250xi32, #tpu.memory_space<vmem>> -> memref<250xi32, #tpu.memory_space<vmem>>
        %dma_start3A_100 = arith.constant 0 : i32
        %dma_start3A_101 = arith.constant 0 : i32
        %dma_start3A_102 = tpu.memref_slice %arg6[%dma_start3A_100, %dma_start3A_101] : memref<10000x128xbf16, #tpu.memory_space<vmem_shared>> -> memref<10000x128xbf16, #tpu.memory_space<vmem_shared>>
        tpu.enqueue_indirect_dma source(%arg9 : memref<250x128xbf16, #tpu.memory_space<vmem>>) target(%dma_start3A_102 : memref<10000x128xbf16, #tpu.memory_space<vmem_shared>>) offsets(%dma_start3A_99 : memref<250xi32, #tpu.memory_space<vmem>>) semaphore(%run_scoped3A_96 : memref<!tpu.dma_semaphore, #tpu.memory_space<semaphore_mem>>) {add = true}
        %dma_wait3A_103 = arith.constant 0 : i32
        %dma_wait3A_104 = tpu.memref_slice %arg8[%run_scoped3A_95, %dma_wait3A_103] : memref<5x250xi32, #tpu.memory_space<vmem>> -> memref<1x250xi32, #tpu.memory_space<vmem>>
        %dma_wait3A_105 = tpu.memref_squeeze %dma_wait3A_104 : memref<1x250xi32, #tpu.memory_space<vmem>> -> memref<250xi32, #tpu.memory_space<vmem>>
        %dma_wait3A_106 = arith.constant 0 : i32
        %dma_wait3A_107 = arith.constant 0 : i32
        %dma_wait3A_108 = tpu.memref_slice %arg6[%dma_wait3A_106, %dma_wait3A_107] : memref<10000x128xbf16, #tpu.memory_space<vmem_shared>> -> memref<10000x128xbf16, #tpu.memory_space<vmem_shared>>
        tpu.wait_indirect_dma semaphore(%run_scoped3A_96 : memref<!tpu.dma_semaphore, #tpu.memory_space<semaphore_mem>>) src(%arg9 : memref<250x128xbf16, #tpu.memory_space<vmem>>) dst(%dma_wait3A_108 : memref<10000x128xbf16, #tpu.memory_space<vmem_shared>>)
        tpu.yield
      }) : () -> ()
    }
    %scan3A_14 = arith.constant 8 : i32
    %barrier3A_15 = arith.constant 0 : index
    tpu.barrier barrier_id(%barrier3A_15)
    "tpu.region"() ({
      %run_scoped3A = tpu.sem_alloc : memref<!tpu.dma_semaphore, #tpu.memory_space<semaphore_mem>>
      %dma_start3A = arith.constant 0 : i32
      %dma_start3A_16 = tpu.memref_slice %arg5[%arg0, %mul3A_4, %dma_start3A] : memref<2x10000x128xbf16, #tpu.memory_space<hbm>> -> memref<1x625x128xbf16, #tpu.memory_space<hbm>>
      %dma_start3A_17 = tpu.memref_squeeze %dma_start3A_16 : memref<1x625x128xbf16, #tpu.memory_space<hbm>> -> memref<625x128xbf16, #tpu.memory_space<hbm>>
      %dma_start3A_18 = arith.constant 0 : i32
      %dma_start3A_19 = tpu.memref_slice %arg6[%mul3A_4, %dma_start3A_18] : memref<10000x128xbf16, #tpu.memory_space<vmem_shared>> -> memref<625x128xbf16, #tpu.memory_space<vmem_shared>>
      tpu.enqueue_dma source(%dma_start3A_19 : memref<625x128xbf16, #tpu.memory_space<vmem_shared>>) target(%dma_start3A_17 : memref<625x128xbf16, #tpu.memory_space<hbm>>) target_semaphore(%run_scoped3A : memref<!tpu.dma_semaphore, #tpu.memory_space<semaphore_mem>>)
      %dma_wait3A = arith.constant 0 : i32
      %dma_wait3A_20 = tpu.memref_slice %arg5[%arg0, %mul3A_4, %dma_wait3A] : memref<2x10000x128xbf16, #tpu.memory_space<hbm>> -> memref<1x625x128xbf16, #tpu.memory_space<hbm>>
      %dma_wait3A_21 = tpu.memref_squeeze %dma_wait3A_20 : memref<1x625x128xbf16, #tpu.memory_space<hbm>> -> memref<625x128xbf16, #tpu.memory_space<hbm>>
      %dma_wait3A_22 = arith.constant 0 : i32
      %dma_wait3A_23 = tpu.memref_slice %arg6[%mul3A_4, %dma_wait3A_22] : memref<10000x128xbf16, #tpu.memory_space<vmem_shared>> -> memref<625x128xbf16, #tpu.memory_space<vmem_shared>>
      tpu.wait_dma2 semaphore(%run_scoped3A : memref<!tpu.dma_semaphore, #tpu.memory_space<semaphore_mem>>) src(%dma_wait3A_23 : memref<625x128xbf16, #tpu.memory_space<vmem_shared>>) dst(%dma_wait3A_21 : memref<625x128xbf16, #tpu.memory_space<hbm>>)
      tpu.yield
    }) : () -> ()
    return
  }
}

module attributes {stable_mosaic.version = 14 : i64} {
  func.func @_tc_self_body(%arg0: i32, %arg1: memref<2000x128xf32, #tpu.memory_space<vmem>>, %arg2: memref<128x128xf32, #tpu.memory_space<vmem>>, %arg3: memref<1x128xf32, #tpu.memory_space<vmem>>, %arg4: memref<2000x128xf32, #tpu.memory_space<vmem>>) attributes {dimension_semantics = [#tpu.dimension_semantics<arbitrary>], iteration_bounds = array<i64: 5>, scalar_prefetch = 0 : i64, scratch_operands = 0 : i64, tpu.core_type = #tpu.core_type<tc>, window_params = [{transform_indices = @transform_0, window_bounds = array<i64: 2000, 128>}, {pipeline_mode = #tpu.pipeline_mode<synchronous>, transform_indices = @transform_1, window_bounds = array<i64: 128, 128>}, {pipeline_mode = #tpu.pipeline_mode<synchronous>, transform_indices = @transform_2, window_bounds = array<i64: 1, 128>}, {transform_indices = @transform_3, window_bounds = array<i64: 2000, 128>}]} {
    %get3A = arith.constant 0 : index
    %get3A_0 = arith.constant 0 : index
    %get3A_1 = vector.load %arg1[%get3A, %get3A_0] : memref<2000x128xf32, #tpu.memory_space<vmem>>, vector<2000x128xf32>
    %convert_element_type3A = arith.truncf %get3A_1 : vector<2000x128xf32> to vector<2000x128xbf16>
    %get3A_2 = arith.constant 0 : index
    %get3A_3 = arith.constant 0 : index
    %get3A_4 = vector.load %arg2[%get3A_2, %get3A_3] : memref<128x128xf32, #tpu.memory_space<vmem>>, vector<128x128xf32>
    %convert_element_type3A_5 = arith.truncf %get3A_4 : vector<128x128xf32> to vector<128x128xbf16>
    %dot_general3A = arith.constant dense<0.000000e+00> : vector<2000x128xf32>
    %dot_general3A_6 = tpu.matmul %convert_element_type3A, %convert_element_type3A_5, %dot_general3A {dimension_numbers = #tpu.dot_dimension_numbers<[1], [1], [0], [0], [0, 0, 1, 0], [], []>, transpose_lhs_hint = false} : vector<2000x128xbf16>, vector<128x128xbf16>, vector<2000x128xf32> -> vector<2000x128xf32>
    %get3A_7 = arith.constant 0 : index
    %get3A_8 = arith.constant 0 : index
    %get3A_9 = vector.load %arg3[%get3A_7, %get3A_8] : memref<1x128xf32, #tpu.memory_space<vmem>>, vector<1x128xf32>
    %add3A = vector.broadcast %get3A_9 : vector<1x128xf32> to vector<2000x128xf32>
    %add3A_10 = arith.addf %dot_general3A_6, %add3A : vector<2000x128xf32>
    %swap3A = arith.constant 0 : index
    %swap3A_11 = arith.constant 0 : index
    %swap3A_12 = vector.load %arg4[%swap3A, %swap3A_11] : memref<2000x128xf32, #tpu.memory_space<vmem>>, vector<2000x128xf32>
    tpu.vector_store %arg4[%swap3A, %swap3A_11], %add3A_10 {strides = array<i32>} : memref<2000x128xf32, #tpu.memory_space<vmem>>, vector<2000x128xf32>,
    return
  }
  func.func @transform_0(%arg0: i32) -> (i32, i32) {
    %c0_i32 = arith.constant 0 : i32
    %c0_i32_0 = arith.constant 0 : i32
    return %arg0, %c0_i32 : i32, i32
  }
  func.func @transform_1(%arg0: i32) -> (i32, i32) {
    %c0_i32 = arith.constant 0 : i32
    %c0_i32_0 = arith.constant 0 : i32
    %c0_i32_1 = arith.constant 0 : i32
    return %c0_i32, %c0_i32_0 : i32, i32
  }
  func.func @transform_2(%arg0: i32) -> (i32, i32) {
    %c0_i32 = arith.constant 0 : i32
    %c0_i32_0 = arith.constant 0 : i32
    %c0_i32_1 = arith.constant 0 : i32
    return %c0_i32, %c0_i32_0 : i32, i32
  }
  func.func @transform_3(%arg0: i32) -> (i32, i32) {
    %c0_i32 = arith.constant 0 : i32
    %c0_i32_0 = arith.constant 0 : i32
    return %arg0, %c0_i32 : i32, i32
  }
}

module attributes {stable_mosaic.version = 14 : i64} {
  func.func @_tc_layer_body(%arg0: i32, %arg1: memref<2x2000x128xbf16, #tpu.memory_space<vmem>>, %arg2: memref<2x2000x16xf32, #tpu.memory_space<vmem>>, %arg3: memref<2000x128xf32, #tpu.memory_space<vmem>>, %arg4: memref<128x128xf32, #tpu.memory_space<vmem>>, %arg5: memref<2000x128xf32, #tpu.memory_space<vmem>>, %arg6: memref<2000x128xbf16, #tpu.memory_space<vmem>>) attributes {dimension_semantics = [#tpu.dimension_semantics<arbitrary>], iteration_bounds = array<i64: 5>, scalar_prefetch = 0 : i64, scratch_operands = 0 : i64, tpu.core_type = #tpu.core_type<tc>, window_params = [{transform_indices = @transform_0, window_bounds = array<i64: 2, 2000, 128>}, {transform_indices = @transform_1, window_bounds = array<i64: 2, 2000, 16>}, {transform_indices = @transform_2, window_bounds = array<i64: 2000, 128>}, {pipeline_mode = #tpu.pipeline_mode<synchronous>, transform_indices = @transform_3, window_bounds = array<i64: 128, 128>}, {transform_indices = @transform_4, window_bounds = array<i64: 2000, 128>}, {transform_indices = @transform_5, window_bounds = array<i64: 2000, 128>}]} {
    %get3A = arith.constant 0 : index
    %get3A_0 = arith.constant 0 : index
    %get3A_1 = arith.constant 0 : index
    %get3A_2 = vector.load %arg1[%get3A, %get3A_0, %get3A_1] : memref<2x2000x128xbf16, #tpu.memory_space<vmem>>, vector<1x2000x128xbf16>
    %get3A_3 = vector.shape_cast %get3A_2 : vector<1x2000x128xbf16> to vector<2000x128xbf16>
    %convert_element_type3A = arith.extf %get3A_3 : vector<2000x128xbf16> to vector<2000x128xf32>
    %get3A_4 = arith.constant 1 : index
    %get3A_5 = arith.constant 0 : index
    %get3A_6 = arith.constant 0 : index
    %get3A_7 = vector.load %arg1[%get3A_4, %get3A_5, %get3A_6] : memref<2x2000x128xbf16, #tpu.memory_space<vmem>>, vector<1x2000x128xbf16>
    %get3A_8 = vector.shape_cast %get3A_7 : vector<1x2000x128xbf16> to vector<2000x128xbf16>
    %convert_element_type3A_9 = arith.extf %get3A_8 : vector<2000x128xbf16> to vector<2000x128xf32>
    %add3A = arith.addf %convert_element_type3A, %convert_element_type3A_9 : vector<2000x128xf32>
    %get3A_10 = arith.constant 0 : index
    %get3A_11 = arith.constant 0 : index
    %get3A_12 = arith.constant 0 : index
    %get3A_13 = vector.load %arg2[%get3A_10, %get3A_11, %get3A_12] : memref<2x2000x16xf32, #tpu.memory_space<vmem>>, vector<1x2000x1xf32>
    %get3A_14 = vector.shape_cast %get3A_13 : vector<1x2000x1xf32> to vector<2000x1xf32>
    %get3A_15 = arith.constant 1 : index
    %get3A_16 = arith.constant 0 : index
    %get3A_17 = arith.constant 0 : index
    %get3A_18 = vector.load %arg2[%get3A_15, %get3A_16, %get3A_17] : memref<2x2000x16xf32, #tpu.memory_space<vmem>>, vector<1x2000x1xf32>
    %get3A_19 = vector.shape_cast %get3A_18 : vector<1x2000x1xf32> to vector<2000x1xf32>
    %add3A_20 = arith.addf %get3A_14, %get3A_19 : vector<2000x1xf32>
    %max3A = arith.constant 1.000000e+00 : f32
    %max3A_21 = vector.broadcast %max3A : f32 to vector<2000x1xf32>
    %max3A_22 = arith.maximumf %add3A_20, %max3A_21 : vector<2000x1xf32>
    %div3A = vector.broadcast %max3A_22 : vector<2000x1xf32> to vector<2000x128xf32>
    %div3A_23 = arith.divf %add3A, %div3A : vector<2000x128xf32>
    %convert_element_type3A_24 = arith.truncf %div3A_23 : vector<2000x128xf32> to vector<2000x128xbf16>
    %get3A_25 = arith.constant 0 : index
    %get3A_26 = arith.constant 0 : index
    %get3A_27 = vector.load %arg4[%get3A_25, %get3A_26] : memref<128x128xf32, #tpu.memory_space<vmem>>, vector<128x128xf32>
    %convert_element_type3A_28 = arith.truncf %get3A_27 : vector<128x128xf32> to vector<128x128xbf16>
    %dot_general3A = arith.constant dense<0.000000e+00> : vector<2000x128xf32>
    %dot_general3A_29 = tpu.matmul %convert_element_type3A_24, %convert_element_type3A_28, %dot_general3A {dimension_numbers = #tpu.dot_dimension_numbers<[1], [1], [0], [0], [0, 0, 1, 0], [], []>, transpose_lhs_hint = false} : vector<2000x128xbf16>, vector<128x128xbf16>, vector<2000x128xf32> -> vector<2000x128xf32>
    %get3A_30 = arith.constant 0 : index
    %get3A_31 = arith.constant 0 : index
    %get3A_32 = vector.load %arg3[%get3A_30, %get3A_31] : memref<2000x128xf32, #tpu.memory_space<vmem>>, vector<2000x128xf32>
    %add3A_33 = arith.addf %dot_general3A_29, %get3A_32 : vector<2000x128xf32>
    %max3A_34 = arith.constant 0.000000e+00 : f32
    %max3A_35 = vector.broadcast %max3A_34 : f32 to vector<2000x128xf32>
    %max3A_36 = arith.maximumf %add3A_33, %max3A_35 : vector<2000x128xf32>
    %swap3A = arith.constant 0 : index
    %swap3A_37 = arith.constant 0 : index
    %swap3A_38 = vector.load %arg5[%swap3A, %swap3A_37] : memref<2000x128xf32, #tpu.memory_space<vmem>>, vector<2000x128xf32>
    tpu.vector_store %arg5[%swap3A, %swap3A_37], %max3A_36 {strides = array<i32>} : memref<2000x128xf32, #tpu.memory_space<vmem>>, vector<2000x128xf32>,
    %convert_element_type3A_39 = arith.truncf %max3A_36 : vector<2000x128xf32> to vector<2000x128xbf16>
    %swap3A_40 = arith.constant 0 : index
    %swap3A_41 = arith.constant 0 : index
    %swap3A_42 = vector.load %arg6[%swap3A_40, %swap3A_41] : memref<2000x128xbf16, #tpu.memory_space<vmem>>, vector<2000x128xbf16>
    tpu.vector_store %arg6[%swap3A_40, %swap3A_41], %convert_element_type3A_39 {strides = array<i32>} : memref<2000x128xbf16, #tpu.memory_space<vmem>>, vector<2000x128xbf16>,
    return
  }
  func.func @transform_0(%arg0: i32) -> (i32, i32, i32) {
    %c0_i32 = arith.constant 0 : i32
    %c0_i32_0 = arith.constant 0 : i32
    %c0_i32_1 = arith.constant 0 : i32
    return %c0_i32, %arg0, %c0_i32_0 : i32, i32, i32
  }
  func.func @transform_1(%arg0: i32) -> (i32, i32, i32) {
    %c0_i32 = arith.constant 0 : i32
    %c0_i32_0 = arith.constant 0 : i32
    %c0_i32_1 = arith.constant 0 : i32
    return %c0_i32, %arg0, %c0_i32_0 : i32, i32, i32
  }
  func.func @transform_2(%arg0: i32) -> (i32, i32) {
    %c0_i32 = arith.constant 0 : i32
    %c0_i32_0 = arith.constant 0 : i32
    return %arg0, %c0_i32 : i32, i32
  }
  func.func @transform_3(%arg0: i32) -> (i32, i32) {
    %c0_i32 = arith.constant 0 : i32
    %c0_i32_0 = arith.constant 0 : i32
    %c0_i32_1 = arith.constant 0 : i32
    return %c0_i32, %c0_i32_0 : i32, i32
  }
  func.func @transform_4(%arg0: i32) -> (i32, i32) {
    %c0_i32 = arith.constant 0 : i32
    %c0_i32_0 = arith.constant 0 : i32
    return %arg0, %c0_i32 : i32, i32
  }
  func.func @transform_5(%arg0: i32) -> (i32, i32) {
    %c0_i32 = arith.constant 0 : i32
    %c0_i32_0 = arith.constant 0 : i32
    return %arg0, %c0_i32 : i32, i32
  }
}

module attributes {stable_mosaic.version = 14 : i64} {
  func.func @_tc_layer_body(%arg0: i32, %arg1: memref<2x2000x128xbf16, #tpu.memory_space<vmem>>, %arg2: memref<2x2000x16xf32, #tpu.memory_space<vmem>>, %arg3: memref<2000x128xf32, #tpu.memory_space<vmem>>, %arg4: memref<128x128xf32, #tpu.memory_space<vmem>>, %arg5: memref<2000x128xf32, #tpu.memory_space<vmem>>) attributes {dimension_semantics = [#tpu.dimension_semantics<arbitrary>], iteration_bounds = array<i64: 5>, scalar_prefetch = 0 : i64, scratch_operands = 0 : i64, tpu.core_type = #tpu.core_type<tc>, window_params = [{transform_indices = @transform_0, window_bounds = array<i64: 2, 2000, 128>}, {transform_indices = @transform_1, window_bounds = array<i64: 2, 2000, 16>}, {transform_indices = @transform_2, window_bounds = array<i64: 2000, 128>}, {pipeline_mode = #tpu.pipeline_mode<synchronous>, transform_indices = @transform_3, window_bounds = array<i64: 128, 128>}, {transform_indices = @transform_4, window_bounds = array<i64: 2000, 128>}]} {
    %get3A = arith.constant 0 : index
    %get3A_0 = arith.constant 0 : index
    %get3A_1 = arith.constant 0 : index
    %get3A_2 = vector.load %arg1[%get3A, %get3A_0, %get3A_1] : memref<2x2000x128xbf16, #tpu.memory_space<vmem>>, vector<1x2000x128xbf16>
    %get3A_3 = vector.shape_cast %get3A_2 : vector<1x2000x128xbf16> to vector<2000x128xbf16>
    %convert_element_type3A = arith.extf %get3A_3 : vector<2000x128xbf16> to vector<2000x128xf32>
    %get3A_4 = arith.constant 1 : index
    %get3A_5 = arith.constant 0 : index
    %get3A_6 = arith.constant 0 : index
    %get3A_7 = vector.load %arg1[%get3A_4, %get3A_5, %get3A_6] : memref<2x2000x128xbf16, #tpu.memory_space<vmem>>, vector<1x2000x128xbf16>
    %get3A_8 = vector.shape_cast %get3A_7 : vector<1x2000x128xbf16> to vector<2000x128xbf16>
    %convert_element_type3A_9 = arith.extf %get3A_8 : vector<2000x128xbf16> to vector<2000x128xf32>
    %add3A = arith.addf %convert_element_type3A, %convert_element_type3A_9 : vector<2000x128xf32>
    %get3A_10 = arith.constant 0 : index
    %get3A_11 = arith.constant 0 : index
    %get3A_12 = arith.constant 0 : index
    %get3A_13 = vector.load %arg2[%get3A_10, %get3A_11, %get3A_12] : memref<2x2000x16xf32, #tpu.memory_space<vmem>>, vector<1x2000x1xf32>
    %get3A_14 = vector.shape_cast %get3A_13 : vector<1x2000x1xf32> to vector<2000x1xf32>
    %get3A_15 = arith.constant 1 : index
    %get3A_16 = arith.constant 0 : index
    %get3A_17 = arith.constant 0 : index
    %get3A_18 = vector.load %arg2[%get3A_15, %get3A_16, %get3A_17] : memref<2x2000x16xf32, #tpu.memory_space<vmem>>, vector<1x2000x1xf32>
    %get3A_19 = vector.shape_cast %get3A_18 : vector<1x2000x1xf32> to vector<2000x1xf32>
    %add3A_20 = arith.addf %get3A_14, %get3A_19 : vector<2000x1xf32>
    %max3A = arith.constant 1.000000e+00 : f32
    %max3A_21 = vector.broadcast %max3A : f32 to vector<2000x1xf32>
    %max3A_22 = arith.maximumf %add3A_20, %max3A_21 : vector<2000x1xf32>
    %div3A = vector.broadcast %max3A_22 : vector<2000x1xf32> to vector<2000x128xf32>
    %div3A_23 = arith.divf %add3A, %div3A : vector<2000x128xf32>
    %convert_element_type3A_24 = arith.truncf %div3A_23 : vector<2000x128xf32> to vector<2000x128xbf16>
    %get3A_25 = arith.constant 0 : index
    %get3A_26 = arith.constant 0 : index
    %get3A_27 = vector.load %arg4[%get3A_25, %get3A_26] : memref<128x128xf32, #tpu.memory_space<vmem>>, vector<128x128xf32>
    %convert_element_type3A_28 = arith.truncf %get3A_27 : vector<128x128xf32> to vector<128x128xbf16>
    %dot_general3A = arith.constant dense<0.000000e+00> : vector<2000x128xf32>
    %dot_general3A_29 = tpu.matmul %convert_element_type3A_24, %convert_element_type3A_28, %dot_general3A {dimension_numbers = #tpu.dot_dimension_numbers<[1], [1], [0], [0], [0, 0, 1, 0], [], []>, transpose_lhs_hint = false} : vector<2000x128xbf16>, vector<128x128xbf16>, vector<2000x128xf32> -> vector<2000x128xf32>
    %get3A_30 = arith.constant 0 : index
    %get3A_31 = arith.constant 0 : index
    %get3A_32 = vector.load %arg3[%get3A_30, %get3A_31] : memref<2000x128xf32, #tpu.memory_space<vmem>>, vector<2000x128xf32>
    %add3A_33 = arith.addf %dot_general3A_29, %get3A_32 : vector<2000x128xf32>
    %reduce_max3A = arith.constant dense<0xFF800000> : vector<2000xf32>
    %reduce_max3A_34 = vector.multi_reduction <maximumf>, %add3A_33, %reduce_max3A [1] : vector<2000x128xf32> to vector<2000xf32>
    %broadcast_in_dim3A = vector.shape_cast %reduce_max3A_34 : vector<2000xf32> to vector<2000x1xf32>
    %sub3A = vector.broadcast %broadcast_in_dim3A : vector<2000x1xf32> to vector<2000x128xf32>
    %sub3A_35 = arith.subf %add3A_33, %sub3A : vector<2000x128xf32>
    %exp3A = math.exp %sub3A_35 : vector<2000x128xf32>
    %reduce_sum3A = arith.constant dense<0.000000e+00> : vector<2000xf32>
    %reduce_sum3A_36 = vector.multi_reduction <add>, %exp3A, %reduce_sum3A [1] : vector<2000x128xf32> to vector<2000xf32>
    %broadcast_in_dim3A_37 = vector.shape_cast %reduce_sum3A_36 : vector<2000xf32> to vector<2000x1xf32>
    %log3A = math.log %broadcast_in_dim3A_37 : vector<2000x1xf32>
    %add3A_38 = arith.addf %broadcast_in_dim3A, %log3A : vector<2000x1xf32>
    %sub3A_39 = vector.broadcast %add3A_38 : vector<2000x1xf32> to vector<2000x128xf32>
    %sub3A_40 = arith.subf %add3A_33, %sub3A_39 : vector<2000x128xf32>
    %swap3A = arith.constant 0 : index
    %swap3A_41 = arith.constant 0 : index
    %swap3A_42 = vector.load %arg5[%swap3A, %swap3A_41] : memref<2000x128xf32, #tpu.memory_space<vmem>>, vector<2000x128xf32>
    tpu.vector_store %arg5[%swap3A, %swap3A_41], %sub3A_40 {strides = array<i32>} : memref<2000x128xf32, #tpu.memory_space<vmem>>, vector<2000x128xf32>,
    return
  }
  func.func @transform_0(%arg0: i32) -> (i32, i32, i32) {
    %c0_i32 = arith.constant 0 : i32
    %c0_i32_0 = arith.constant 0 : i32
    %c0_i32_1 = arith.constant 0 : i32
    return %c0_i32, %arg0, %c0_i32_0 : i32, i32, i32
  }
  func.func @transform_1(%arg0: i32) -> (i32, i32, i32) {
    %c0_i32 = arith.constant 0 : i32
    %c0_i32_0 = arith.constant 0 : i32
    %c0_i32_1 = arith.constant 0 : i32
    return %c0_i32, %arg0, %c0_i32_0 : i32, i32, i32
  }
  func.func @transform_2(%arg0: i32) -> (i32, i32) {
    %c0_i32 = arith.constant 0 : i32
    %c0_i32_0 = arith.constant 0 : i32
    return %arg0, %c0_i32 : i32, i32
  }
  func.func @transform_3(%arg0: i32) -> (i32, i32) {
    %c0_i32 = arith.constant 0 : i32
    %c0_i32_0 = arith.constant 0 : i32
    %c0_i32_1 = arith.constant 0 : i32
    return %c0_i32, %c0_i32_0 : i32, i32
  }
  func.func @transform_4(%arg0: i32) -> (i32, i32) {
    %c0_i32 = arith.constant 0 : i32
    %c0_i32_0 = arith.constant 0 : i32
    return %arg0, %c0_i32 : i32, i32
  }
}

</mosaic_0001>

<sc_bundles>
// kernel: kernel.11.cloned.1.call-start
scs
__scs_entry_jumppad:
0x0: {  	(pc) =	sbr.rel $0x88, $3  }
0x1: {  	(tag) =	ssettag $0x0;
	lr =	simm.s32 $0x1  }
0x2: {  	[smem:$0x3F99] =	sst lr;
	_ =	strace $0xD0000000  }
0x3: {  	_ = 	snop  }
0x4: {  	_ = 	snop  }
0x5: {  	_ = 	snop  }
0x6: {  	_ = 	snop  }
0x7: {  	_ = 	snop  }
__scs_overlays_trampoline_lowered:
0x8: {  	[smem:$0x3FA8] =	sst s0  }
0x9: {  	[smem:$0x3FA9] =	sst s1  }
0xa: {  	[smem:$0x3FAA] =	sst s2  }
0xb: {  	[smem:$0x3FAB] =	sst s3  }
0xc: {  	[smem:$0x3FAC] =	sst s4  }
0xd: {  	[smem:$0x3FAD] =	sst s5  }
0xe: {  	[smem:$0x3FAE] =	sst s6  }
0xf: {  	[smem:$0x3FAF] =	sst s7  }
0x10: {  	[smem:$0x3FB0] =	sst s8  }
0x11: {  	[smem:$0x3FB1] =	sst s9;
	s0 =	simm.s32 @!p0 $0x0  }
0x12: {  	s1 =	sld [smem:$0x3F97];
	s0 =	simm.s32 @p0 $0x1  }
0x13: {  	[smem:$0x3FB2] =	sst s0;
	s0 =	simm.s32 @!p1 $0x0  }
0x14: {  	s2 =	sld [smem:$0x3F96];
	s0 =	simm.s32 @p1 $0x1  }
0x15: {  	[smem:$0x3FB3] =	sst s0;
	s0 =	simm.s32 @!p2 $0x0  }
0x16: {  	s3 =	sld [smem:$0x3FDB];
	s0 =	simm.s32 @p2 $0x1  }
0x17: {  	s4 =	simm.s32 $0x1BF5;
	[smem:$0x3FB5] =	sst s0  }
0x18: {  	s0 =	sld [smem:$0x3F98];
	_ =	swait.ge [sflag:s4], $0x0  }
0x19: {  	s7 =	sld [smem:$0x3F99]  }
0x1a: {  	s8 =	sadd.s32 $0xFFFFE003, lr  }
0x1b: {  	s9 =	sadd.s32 $0xFFFFFEF7, lr;
	s5 =	simm.s32 $0xFFFFFFFF;
	p2 =	slt.u32 s8, $0xFFFFF086  }
0x1c: {  	p1 =	slt.u32 s9, $0xF7A;
	s5 =	simm.s32 @!p2 $0x0  }
0x1d: {  	s5 =	simm.s32 @p1 $0x1;
	p0 =	seq.s32 s7, s2  }
0x1e: {  	s7 =	smul.u32 @!p0 $0xF7A, s2;
	p2 =	seq.s32 @!p0 s5, $0x0  }
0x1f: {  	s9 =	smul.u32 $0xF7A, s1;
	s8 =	simm.s32 @!p0 $0x1BF5;
	p2 =	por !p2, p0  }
0x20: {  	[sflag:s8] =	ssyncset.s32 @!p0 $0xFFFFF086;
	s6 =	sadd.s32 @!p0 s3, s7;
	s7 =	simm.s32 @!p0 $0x108  }
0x21: {  	s3 =	sadd.s32 s3, s9;
	s6 =	sadd.s32 @!p0 $0x88, s6;
	s7 =	simm.s32 @p2 $0x1082  }
0x22: {  	[simem:s7], [sflag:s8] =	dma.local @!p0 [hbm:s6], $0xF7A  }
0x23: {  	s9 =	sor.u32 $0xD0000000, s2;
	s6 =	simm.s32 $0x108;
	_ =	swait.ge @!p0 [sflag:s8], $0x0  }
0x24: {  	s3 =	sadd.s32 $0x88, s3;
	s6 =	simm.s32 @!p1 $0x1082;
	[sflag:s4] =	ssyncset.s32 $0xFFFFF086  }
0x25: {  	[simem:s6], [sflag:s4] =	dma.local [hbm:s3], $0xF7A  }
0x26: {  	[smem:$0x3F99] =	sst s1;
	(tag) =	ssettag s2;
	_ =	strace s9  }
0x27: {  	s1 =	sld [smem:$0x3FA9]  }
0x28: {  	s2 =	sld [smem:$0x3FAA]  }
0x29: {  	s4 =	sld [smem:$0x3FAC]  }
0x2a: {  	p0 =	seq.s32 s5, $0x0;
	s5 =	sld [smem:$0x3FAD]  }
0x2b: {  	s6 =	sld [smem:$0x3FAE]  }
0x2c: {  	s7 =	sld [smem:$0x3FAF]  }
0x2d: {  	s3 =	simm.s32 $0x108;
	s8 =	sld [smem:$0x3FB0]  }
0x2e: {  	s3 =	simm.s32 @!p0 $0x1082;
	s9 =	sld [smem:$0x3FB1]  }
0x2f: {  	lr =	sadd.s32 s0, s3;
	s0 =	sld [smem:$0x3FA8]  }
0x30: {  	s3 =	sld [smem:$0x3FAB]  }
0x31: {  	[smem:$0x3FB4] =	sst s10  }
0x32: {  	s10 =	sld [smem:$0x3FB2];
	_ =	sdelay $0x3  }
0x33: {  	p0 =	seq.s32 s10, $0x1;
	s10 =	sld [smem:$0x3FB4];
	_ =	sdelay $0x3  }
0x34: {  	[smem:$0x3FB4] =	sst s10  }
0x35: {  	s10 =	sld [smem:$0x3FB3];
	_ =	sdelay $0x3  }
0x36: {  	p1 =	seq.s32 s10, $0x1;
	s10 =	sld [smem:$0x3FB4];
	_ =	sdelay $0x3  }
0x37: {  	[smem:$0x3FB4] =	sst s10  }
0x38: {  	s10 =	sld [smem:$0x3FB5]  }
0x39: {  	_ = 	snop;
	(pc) =	sbr.ind lr, $3  }
0x3a: {  	_ = 	snop  }
0x3b: {  	_ = 	snop  }
0x3c: {  	p2 =	seq.s32 s10, $0x1;
	s10 =	sld [smem:$0x3FB4]  }
0x3d: {  	_ =	shalt  }
0x3e: {  	_ =	shalt  }
0x3f: {  	_ =	shalt  }
0x40: {  	_ =	shalt  }
0x41: {  	_ =	shalt  }
0x42: {  	_ =	shalt  }
0x43: {  	_ =	shalt  }
0x44: {  	_ =	shalt  }
0x45: {  	_ =	shalt  }
0x46: {  	_ =	shalt  }
0x47: {  	_ =	shalt  }
0x48: {  	_ =	shalt  }
0x49: {  	_ =	shalt  }
0x4a: {  	_ =	shalt  }
0x4b: {  	_ =	shalt  }
0x4c: {  	_ =	shalt  }
0x4d: {  	_ =	shalt  }
0x4e: {  	_ =	shalt  }
0x4f: {  	_ =	shalt  }
0x50: {  	_ =	shalt  }
0x51: {  	_ =	shalt  }
0x52: {  	_ =	shalt  }
0x53: {  	_ =	shalt  }
0x54: {  	_ =	shalt  }
0x55: {  	_ =	shalt  }
0x56: {  	_ =	shalt  }
0x57: {  	_ =	shalt  }
0x58: {  	_ =	shalt  }
0x59: {  	_ =	shalt  }
0x5a: {  	_ =	shalt  }
0x5b: {  	_ =	shalt  }
0x5c: {  	_ =	shalt  }
0x5d: {  	_ =	shalt  }
0x5e: {  	_ =	shalt  }
0x5f: {  	_ =	shalt  }
0x60: {  	_ =	shalt  }
0x61: {  	_ =	shalt  }
0x62: {  	_ =	shalt  }
0x63: {  	_ =	shalt  }
0x64: {  	_ =	shalt  }
0x65: {  	_ =	shalt  }
0x66: {  	_ =	shalt  }
0x67: {  	_ =	shalt  }
0x68: {  	_ =	shalt  }
0x69: {  	_ =	shalt  }
0x6a: {  	_ =	shalt  }
0x6b: {  	_ =	shalt  }
0x6c: {  	_ =	shalt  }
0x6d: {  	_ =	shalt  }
0x6e: {  	_ =	shalt  }
0x6f: {  	_ =	shalt  }
0x70: {  	_ =	shalt  }
0x71: {  	_ =	shalt  }
0x72: {  	_ =	shalt  }
0x73: {  	_ =	shalt  }
0x74: {  	_ =	shalt  }
0x75: {  	_ =	shalt  }
0x76: {  	_ =	shalt  }
0x77: {  	_ =	shalt  }
0x78: {  	_ =	shalt  }
0x79: {  	_ =	shalt  }
0x7a: {  	_ =	shalt  }
0x7b: {  	_ =	shalt  }
0x7c: {  	_ =	shalt  }
0x7d: {  	_ =	shalt  }
0x7e: {  	_ =	shalt  }
0x7f: {  	_ =	shalt  }
0x80: {  	_ =	shalt  }
0x81: {  	_ =	shalt  }
0x82: {  	_ =	shalt  }
0x83: {  	_ =	shalt  }
0x84: {  	_ =	shalt  }
0x85: {  	_ =	shalt  }
0x86: {  	_ =	shalt  }
0x87: {  	_ =	shalt  }
.Lfunc_end0:
.L_simem_size_0:
called_computation.1_lowered:
.L_overlay_start_0:
0x88: {  	s2 =	sld [smem:$0x3FD9]  }
0x89: {  	s3 =	sld [smem:$0x3FFE];
	_ =	sdelay $0x1  }
0x8a: {  	s1 =	srdreg.scid  }
0x8b: {  	s0 =	sand.u32 $0x1, s1  }
0x8c: {  	s17 =	sshll.u32 s0, $0xA;
	s2 =	sadd.s32 s3, s2  }
0x8d: {  	s2 =	sadd.s32 s2, s17  }
0x8e: {  	[smem:$0x3FC0] =	sst s2  }
0x8f: {  	_ = 	snop  }
0x90: {  	s2 =	sld [smem:$0x3FD0];
	(tm) =	ssettm $0x1  }
0x91: {  	s18 =	sld [smem:$0x3FFB];
	_ =	sdelay $0x3  }
0x92: {  	_ =	strace s18  }
0x93: {  	s3 =	sld [smem:$0x3FFC];
	_ =	sdelay $0x3  }
0x94: {  	_ =	strace s3  }
0x95: {  	s3 =	sld [smem:$0x3FFD];
	_ =	sdelay $0x3  }
0x96: {  	_ =	strace s3  }
0x97: {  	_ =	strace $0x8FFFFFFF  }
0x98: {  	s19 =	sld [smem:$0x3FDB];
	_ =	sdelay $0x1  }
0x99: {  	s4 =	simm.s32 $_scs_section_size  }
0x9a: {  	s5 =	simm.s32 $_size__tile_overlayer_lowered;
	s6 =	simm.s32 $_tile_overlayer_lowered  }
0x9b: {  	s22 =	simm.s32 $0x1BFF;
	s21 =	sshll.u32 s6, $0x1;
	s3 =	sadd.s32 s4, s19  }
0x9c: {  	s7 =	simm.s32 $0x0;
	s20 =	sshll.u32 s5, $0x1;
	s5 =	sadd.s32 s21, s3  }
0x9d: {  	[timem:s7], [sflag:s22] =	dma.local [hbm:s5], s20  }
0x9e: {  	_ =	swait.ge [sflag:s22], s20  }
0x9f: {  	s4 =	ssub.s32 $0x0, s20;
	[sflag:s22] =	ssyncset.done $0x0  }
0xa0: {  	[sflag:s22] =	ssyncadd.s32 s4;
	_ =	sdelay $0x1  }
0xa1: {  	s23 =	simm.s32 $0x1B8B  }
0xa2: {  	_ =	swait.ge [sflag:s23], $0x1  }
0xa3: {  	[sflag:s23] =	ssyncset.done $0x0  }
0xa4: {  	s25 =	simm.s32 $0x1B8E;
	s24 =	sld [smem:$0x3FFE];
	[sflag:s23] =	ssyncadd.s32 $0xFFFFFFFF  }
0xa5: {  	s26 =	simm.s32 $execute0_lowered;
	[smem:$0x3FD2] =	sst s25  }
0xa6: {  	s5 =	sshll.u32 s26, $0x1;
	_ =	strace $0x80000049;
	[dreg:$0x1] =	wrdreg $0xFFFFFFFF  }
0xa7: {  	s28 =	simm.s32 $_size_execute0_lowered;
	s3 =	sadd.s32 s3, s5;
	[dreg:$0x0] =	wrdreg $0x0  }
0xa8: {  	s5 =	sshll.u32 s28, $0x1;
	[dreg:$0x2] =	wrdreg s3  }
0xa9: {  	[dreg:$0x3] =	wrdreg s5  }
0xaa: {  	[dreg:$0x4] =	wrdreg $0xC0  }
0xab: {  	_ =	task [dreg:s7], $0x5FFFF  }
0xac: {  	[dreg:$0x1] =	wrdreg $0xFFFFFFFF  }
0xad: {  	[dreg:$0x0] =	wrdreg $0x60  }
0xae: {  	[dreg:$0x2] =	wrdreg s24  }
0xaf: {  	[dreg:$0x3] =	wrdreg s2  }
0xb0: {  	[dreg:$0x4] =	wrdreg $0x0  }
0xb1: {  	[dreg:$0x5] =	wrdreg $0x9  }
0xb2: {  	_ =	task.clear_ibuf [dreg:s7], $0x6FFFF;
	_ =	strace $0x90000049  }
0xb3: {  	s29 =	simm.s32 $0x9;
	_ =	strace $0x8000004B  }
0xb4: {  	_ =	swait.ge [sflag:s29], $0x1  }
0xb5: {  	[sflag:s29] =	ssyncadd.s32 $0xFFFFFFFF  }
0xb6: {  	_ =	strace $0x9000004B  }
0xb7: {  	_ =	sfence  }
0xb8: {  	s30 =	sld [smem:$0x0];
	_ =	sdelay $0x2  }
0xb9: {  	s31 =	sshll.u32 s1, $0xD;
	s1 =	sshrl.u32 s1, $0x2  }
0xba: {  	s3 =	sand.u32 $0x4000, s31;
	s1 =	sadd.s32 s1, s30  }
0xbb: {  	s0 =	sor.u32 s3, s0;
	s1 =	sshll.u32 s1, $0x11  }
0xbc: {  	s0 =	sor.u32 s1, s0  }
0xbd: {  	s0 =	sadd.s32 $0x8F2B, s0  }
0xbe: {  	[sflag:s0] =	ssyncadd.remote.s32 $0x1  }
0xbf: {  	_ =	sfence.sel $0xFFFF  }
0xc0: {  	[dreg:$0x0] =	wrdreg $0xFFFFFFFF;
	(pc) =	sbr.abs _section_cstart, $3  }
0xc1: {  	[dreg:$0x1] =	wrdreg $0xFFFFFFFF  }
0xc2: {  	_ =	task.clear_ibuf [dreg:s7], $0x2FFFF;
	_ =	strace $0x9FFFFFFF  }
0xc3: {  	(tm) =	ssettm $0x7FFFFFFF  }
tec
execute0_lowered:
.L_overlay_start_1:
0x0: {  	(tag) =	ssettag $0x1  }
0x1: {  	s0 =	rddreg [dreg:$0x0]  }
0x2: {  	s5 =	rddreg [dreg:$0x1];
	s1 =	srdreg.scid  }
0x3: {  	s2 =	rddreg [dreg:$0x2];
	s24 =	stileid.u32;
	s3 =	simm.s32 $0x0  }
0x4: {  	s12 =	simm.s32 $0x9C40;
	s13 =	simm.s32 $0xA140;
	s14 =	simm.s32 $0xFA  }
0x5: {  	s15 =	simm.s32 $0xA640;
	s16 =	simm.s32 $0x9D40;
	s17 =	simm.s32 $0xE4C0  }
0x6: {  	s18 =	simm.s32 $0x1;
	s19 =	simm.s32 $0x9E40;
	s20 =	simm.s32 $0x2  }
0x7: {  	s21 =	simm.s32 $0xA240;
	s22 =	simm.s32 $0x9F40;
	s7 =	smul.u32 $0x2800, s24  }
0x8: {  	s23 =	simm.s32 $0xA340;
	s28 =	simm.s32 $0xA540;
	s9 =	smul.u32 $0x13880, s24  }
0x9: {  	s29 =	simm.s32 $0x0;
	s6 =	sand.u32 $0x1, s1;
	s11 =	smul.u32 $0x27100, s24  }
0xa: {  	[smem:$0x7FF] =	sst s3;
	s24 =	simm.s32 $0xA040;
	s4 =	smul.u32 $0x28000, s6  }
0xb: {  	s8 =	smul.u32 $0x138800, s6;
	_ =	strace $0x8000004A;
	s6 =	ssub.s32 $0x2, s6  }
0xc: {  	s10 =	sshrl.u32 s6, $0x1;
	s30 =	sshrl.u32 s9, $0x1;
	s31 =	sshrl.u32 s11, $0x2  }
0xd: {  	s11 =	simm.s32 $0x3;
	s7 =	sadd.s32 s7, s4;
	s4 =	sadd.s32 $0x2A00, s0  }
0xe: {  	s8 =	sadd.s32 s9, s8;
	s6 =	ssub.s32 s6, s10;
	s10 =	simm.s32 $0x12340  }
0xf: {  	s7 =	sshrl.u32 s7, $0x3;
	s25 =	sshrl.u32 s8, $0x4;
	s6 =	smax.u32 s6, $0x1  }
0x10: {  	s0 =	sadd.s32 s7, s0;
	s26 =	sadd.s32 s5, s25;
	s25 =	sadd.s32 s30, s2  }
0x11: {  	s7 =	sadd.s32 s31, s2;
	[dreg:$0x4] =	wrdreg s26;
	s8 =	sadd.s32 $0x16400, s0  }
0x12: {  	v0 =	vimm.bf16 $0.0e+00;
	s9 =	sadd.s32 $0x20400, s0;
	s25 =	sshrl.u32 s25, $0x3;
	s26 =	simm.s32 $0xA440  }
.LBB2_1:
0x13: {  	s0 =	simm.s32 $0x0  }
.LBB2_2:
0x14: {  	p0 =	sne.s32 s0, $0x1800  }
.Ltmp0:
0x15: {  	s30 =	sshra.s32 s0, $0x2;
	(pc) =	sbr.rel @p0 .LBB2_2-.Ltmp0, $4  }
0x16: {  	[tilespmem:s30+$0x12340] =	vst v0  }
0x17: {  	[tilespmem:s30+$0x12350] =	vst v0  }
0x18: {  	[tilespmem:s30+$0x12360] =	vst v0  }
0x19: {  	s0 =	sadd.s32 $0x100, s0;
	[tilespmem:s30+$0x12370] =	vst v0  }
0x1a: {  	s0 =	sadd.s32 $0x0, s7  }
0x1b: {  	[spmem:s0] =	stream.linear.scatter [tilespmem:s10], [sflag:$0x3], $0x640, $0x38;
	[tilespmem:$0x12980] =	vst v63  }
0x1c: {  	s30 =	simm.s32 $0x1900;
	_ =	swait.ge [sflag:s11], $0x640  }
.LBB2_4:
0x1d: {  	s0 =	sshra.s32 s30, $0x2;
	[sflag:s11] =	ssyncset.done $0x0;
	p0 =	sne.s32 s30, $0x25800  }
.Ltmp1:
0x1e: {  	s0 =	sadd.s32 s0, s7;
	[sflag:s11] =	ssyncadd.s32 $0xFFFFF9C0;
	(pc) =	sbr.rel @p0 .LBB2_4-.Ltmp1, $3  }
0x1f: {  	[spmem:s0] =	stream.linear.scatter [tilespmem:s10], [sflag:$0x3], $0x640, $0x38;
	[tilespmem:$0x12980] =	vst v63  }
0x20: {  	s30 =	sadd.s32 $0x1900, s30;
	_ =	sdelay $0x1  }
0x21: {  	_ =	swait.ge [sflag:s11], $0x640  }
0x22: {  	[sflag:s11] =	ssyncset.done $0x0  }
0x23: {  	[sflag:s11] =	ssyncadd.s32 $0xFFFFF9C0  }
0x24: {  	s0 =	sadd.s32 $0x0, s9;
	[bflag:$0x0] =	sbarrier.arrive $0xFFFF  }
0x25: {  	[tilespmem:s12], [sflag:$0x3] =	stream.linear.gather [hbm4b:s0+s3], $0x500, $0x38;
	[tilespmem:$0x12980] =	vst v63  }
0x26: {  	_ =	swait.ge [sflag:s11], $0x500  }
0x27: {  	[sflag:s11] =	ssyncset.done $0x0  }
0x28: {  	s5 =	sadd.s32 $0x0, s8;
	[sflag:s11] =	ssyncadd.s32 $0xFFFFFB00  }
0x29: {  	[tilespmem:s13], [sflag:$0x3] =	stream.linear.gather [hbm4b:s5+s3], $0x500, $0x38;
	[tilespmem:$0x12980] =	vst v63  }
0x2a: {  	_ =	swait.ge [sflag:s11], $0x500  }
0x2b: {  	[sflag:s11] =	ssyncset.done $0x0  }
0x2c: {  	[sflag:s11] =	ssyncadd.s32 $0xFFFFFB00  }
0x2d: {  	[tilespmem:s15], [sflag:$0x1] =	stream.indirect.gather [hbm4b:s4+s14], $0x40, s12, s14, $0xb8;
	[tilespmem:$0x12980] =	vst v63  }
0x2e: {  	_ = 	snop  }
0x2f: {  	[tilespmem:s17], [sflag:$0x2] =	stream.indirect.gather [hbm4b:s4+s14], $0x40, s16, s14, $0xb8;
	[tilespmem:$0x12980] =	vst v63  }
0x30: {  	_ =	swait.ge [sflag:s18], $0x3E80  }
0x31: {  	[sflag:s18] =	ssyncset.done $0x0  }
0x32: {  	[sflag:s18] =	ssyncadd.s32 $0xFFFFC180  }
0x33: {  	[spmem:s2] =	stream.indirect.scatter.add.bf16 [tilespmem:s15], [sflag:$0x3], $0x40, s13, s14, $0xb8;
	[tilespmem:$0x12980] =	vst v63  }
0x34: {  	_ =	swait.ge [sflag:s11], $0x3E80  }
0x35: {  	[sflag:s11] =	ssyncset.done $0x0  }
0x36: {  	[sflag:s11] =	ssyncadd.s32 $0xFFFFC180  }
0x37: {  	[tilespmem:s15], [sflag:$0x1] =	stream.indirect.gather [hbm4b:s4+s14], $0x40, s19, s14, $0xb8;
	[tilespmem:$0x12980] =	vst v63  }
0x38: {  	_ =	swait.ge [sflag:s20], $0x3E80  }
0x39: {  	[sflag:s20] =	ssyncset.done $0x0  }
0x3a: {  	[sflag:s20] =	ssyncadd.s32 $0xFFFFC180  }
0x3b: {  	[spmem:s2] =	stream.indirect.scatter.add.bf16 [tilespmem:s17], [sflag:$0x3], $0x40, s21, s14, $0xb8;
	[tilespmem:$0x12980] =	vst v63  }
0x3c: {  	_ =	swait.ge [sflag:s11], $0x3E80  }
0x3d: {  	[sflag:s11] =	ssyncset.done $0x0  }
0x3e: {  	[sflag:s11] =	ssyncadd.s32 $0xFFFFC180  }
0x3f: {  	[tilespmem:s17], [sflag:$0x2] =	stream.indirect.gather [hbm4b:s4+s14], $0x40, s22, s14, $0xb8;
	[tilespmem:$0x12980] =	vst v63  }
0x40: {  	_ =	swait.ge [sflag:s18], $0x3E80  }
0x41: {  	[sflag:s18] =	ssyncset.done $0x0  }
0x42: {  	[sflag:s18] =	ssyncadd.s32 $0xFFFFC180  }
0x43: {  	[spmem:s2] =	stream.indirect.scatter.add.bf16 [tilespmem:s15], [sflag:$0x3], $0x40, s23, s14, $0xb8;
	[tilespmem:$0x12980] =	vst v63  }
0x44: {  	_ =	swait.ge [sflag:s11], $0x3E80  }
0x45: {  	[sflag:s11] =	ssyncset.done $0x0  }
0x46: {  	[sflag:s11] =	ssyncadd.s32 $0xFFFFC180  }
0x47: {  	[tilespmem:s15], [sflag:$0x1] =	stream.indirect.gather [hbm4b:s4+s14], $0x40, s24, s14, $0xb8;
	[tilespmem:$0x12980] =	vst v63  }
0x48: {  	_ =	swait.ge [sflag:s20], $0x3E80  }
0x49: {  	[sflag:s20] =	ssyncset.done $0x0  }
0x4a: {  	[sflag:s20] =	ssyncadd.s32 $0xFFFFC180  }
0x4b: {  	[spmem:s2] =	stream.indirect.scatter.add.bf16 [tilespmem:s17], [sflag:$0x3], $0x40, s26, s14, $0xb8;
	[tilespmem:$0x12980] =	vst v63  }
0x4c: {  	_ =	swait.ge [sflag:s11], $0x3E80  }
0x4d: {  	[sflag:s11] =	ssyncset.done $0x0  }
0x4e: {  	[sflag:s11] =	ssyncadd.s32 $0xFFFFC180  }
0x4f: {  	_ =	swait.ge [sflag:s18], $0x3E80  }
0x50: {  	[sflag:s18] =	ssyncset.done $0x0  }
0x51: {  	[sflag:s18] =	ssyncadd.s32 $0xFFFFC180  }
0x52: {  	[spmem:s2] =	stream.indirect.scatter.add.bf16 [tilespmem:s15], [sflag:$0x3], $0x40, s28, s14, $0xb8;
	[tilespmem:$0x12980] =	vst v63  }
0x53: {  	_ =	swait.ge [sflag:s11], $0x3E80  }
0x54: {  	s30 =	simm.s32 $0xA0;
	s31 =	simm.s32 $0x140;
	[sflag:s11] =	ssyncset.done $0x0  }
.LBB2_6:
0x55: {  	s1 =	sadd.s32 s30, s9  }
0x56: {  	[sflag:s11] =	ssyncadd.s32 $0xFFFFC180;
	s5 =	smov.u32 s31;
	s0 =	sadd.s32 $0xA0, s31  }
0x57: {  	[tilespmem:s12], [sflag:$0x3] =	stream.linear.gather [hbm4b:s1+s3], $0x500, $0x38;
	[tilespmem:$0x12980] =	vst v63  }
0x58: {  	p0 =	sne.s32 s31, $0x460;
	_ =	swait.ge [sflag:s11], $0x500  }
0x59: {  	[sflag:s11] =	ssyncset.done $0x0  }
0x5a: {  	s1 =	sadd.s32 s30, s8;
	s30 =	smov.u32 s5;
	[sflag:s11] =	ssyncadd.s32 $0xFFFFFB00  }
0x5b: {  	[tilespmem:s13], [sflag:$0x3] =	stream.linear.gather [hbm4b:s1+s3], $0x500, $0x38;
	[tilespmem:$0x12980] =	vst v63  }
0x5c: {  	_ =	swait.ge [sflag:s11], $0x500  }
0x5d: {  	[sflag:s11] =	ssyncset.done $0x0  }
0x5e: {  	[sflag:s11] =	ssyncadd.s32 $0xFFFFFB00  }
0x5f: {  	[tilespmem:s15], [sflag:$0x1] =	stream.indirect.gather [hbm4b:s4+s14], $0x40, s12, s14, $0xb8;
	[tilespmem:$0x12980] =	vst v63  }
0x60: {  	_ = 	snop  }
0x61: {  	[tilespmem:s17], [sflag:$0x2] =	stream.indirect.gather [hbm4b:s4+s14], $0x40, s16, s14, $0xb8;
	[tilespmem:$0x12980] =	vst v63  }
0x62: {  	_ =	swait.ge [sflag:s18], $0x3E80  }
0x63: {  	[sflag:s18] =	ssyncset.done $0x0  }
0x64: {  	[sflag:s18] =	ssyncadd.s32 $0xFFFFC180  }
0x65: {  	[spmem:s2] =	stream.indirect.scatter.add.bf16 [tilespmem:s15], [sflag:$0x3], $0x40, s13, s14, $0xb8;
	[tilespmem:$0x12980] =	vst v63  }
0x66: {  	_ =	swait.ge [sflag:s11], $0x3E80  }
0x67: {  	[sflag:s11] =	ssyncset.done $0x0  }
0x68: {  	[sflag:s11] =	ssyncadd.s32 $0xFFFFC180  }
0x69: {  	[tilespmem:s15], [sflag:$0x1] =	stream.indirect.gather [hbm4b:s4+s14], $0x40, s19, s14, $0xb8;
	[tilespmem:$0x12980] =	vst v63  }
0x6a: {  	_ =	swait.ge [sflag:s20], $0x3E80  }
0x6b: {  	[sflag:s20] =	ssyncset.done $0x0  }
0x6c: {  	[sflag:s20] =	ssyncadd.s32 $0xFFFFC180  }
0x6d: {  	[spmem:s2] =	stream.indirect.scatter.add.bf16 [tilespmem:s17], [sflag:$0x3], $0x40, s21, s14, $0xb8;
	[tilespmem:$0x12980] =	vst v63  }
0x6e: {  	_ =	swait.ge [sflag:s11], $0x3E80  }
0x6f: {  	[sflag:s11] =	ssyncset.done $0x0  }
0x70: {  	[sflag:s11] =	ssyncadd.s32 $0xFFFFC180  }
0x71: {  	[tilespmem:s17], [sflag:$0x2] =	stream.indirect.gather [hbm4b:s4+s14], $0x40, s22, s14, $0xb8;
	[tilespmem:$0x12980] =	vst v63  }
0x72: {  	_ =	swait.ge [sflag:s18], $0x3E80  }
0x73: {  	[sflag:s18] =	ssyncset.done $0x0  }
0x74: {  	[sflag:s18] =	ssyncadd.s32 $0xFFFFC180  }
0x75: {  	[spmem:s2] =	stream.indirect.scatter.add.bf16 [tilespmem:s15], [sflag:$0x3], $0x40, s23, s14, $0xb8;
	[tilespmem:$0x12980] =	vst v63  }
0x76: {  	_ =	swait.ge [sflag:s11], $0x3E80  }
0x77: {  	[sflag:s11] =	ssyncset.done $0x0  }
0x78: {  	[sflag:s11] =	ssyncadd.s32 $0xFFFFC180  }
0x79: {  	[tilespmem:s15], [sflag:$0x1] =	stream.indirect.gather [hbm4b:s4+s14], $0x40, s24, s14, $0xb8;
	[tilespmem:$0x12980] =	vst v63  }
0x7a: {  	_ =	swait.ge [sflag:s20], $0x3E80  }
0x7b: {  	[sflag:s20] =	ssyncset.done $0x0  }
0x7c: {  	[sflag:s20] =	ssyncadd.s32 $0xFFFFC180  }
0x7d: {  	[spmem:s2] =	stream.indirect.scatter.add.bf16 [tilespmem:s17], [sflag:$0x3], $0x40, s26, s14, $0xb8;
	[tilespmem:$0x12980] =	vst v63  }
0x7e: {  	_ =	swait.ge [sflag:s11], $0x3E80  }
0x7f: {  	[sflag:s11] =	ssyncset.done $0x0  }
0x80: {  	[sflag:s11] =	ssyncadd.s32 $0xFFFFC180  }
0x81: {  	_ =	swait.ge [sflag:s18], $0x3E80  }
.Ltmp2:
0x82: {  	[sflag:s18] =	ssyncset.done $0x0;
	(pc) =	sbr.rel @p0 .LBB2_6-.Ltmp2, $4  }
0x83: {  	[sflag:s18] =	ssyncadd.s32 $0xFFFFC180  }
0x84: {  	[spmem:s2] =	stream.indirect.scatter.add.bf16 [tilespmem:s15], [sflag:$0x3], $0x40, s28, s14, $0xb8;
	[tilespmem:$0x12980] =	vst v63  }
0x85: {  	_ =	swait.ge [sflag:s11], $0x3E80  }
0x86: {  	s31 =	smov.u32 s0;
	[sflag:s11] =	ssyncset.done $0x0  }
0x87: {  	s0 =	sadd.s32 s30, s9;
	[sflag:s11] =	ssyncadd.s32 $0xFFFFC180  }
0x88: {  	[tilespmem:s12], [sflag:$0x3] =	stream.linear.gather [hbm4b:s0+s3], $0x500, $0x38;
	[tilespmem:$0x12980] =	vst v63  }
0x89: {  	_ =	swait.ge [sflag:s11], $0x500  }
0x8a: {  	[sflag:s11] =	ssyncset.done $0x0  }
0x8b: {  	s30 =	sadd.s32 s30, s8;
	[sflag:s11] =	ssyncadd.s32 $0xFFFFFB00  }
0x8c: {  	[tilespmem:s13], [sflag:$0x3] =	stream.linear.gather [hbm4b:s30+s3], $0x500, $0x38;
	[tilespmem:$0x12980] =	vst v63  }
0x8d: {  	_ =	swait.ge [sflag:s11], $0x500  }
0x8e: {  	[sflag:s11] =	ssyncset.done $0x0  }
0x8f: {  	[sflag:s11] =	ssyncadd.s32 $0xFFFFFB00  }
0x90: {  	[tilespmem:s15], [sflag:$0x1] =	stream.indirect.gather [hbm4b:s4+s14], $0x40, s12, s14, $0xb8;
	[tilespmem:$0x12980] =	vst v63  }
0x91: {  	_ = 	snop  }
0x92: {  	[tilespmem:s17], [sflag:$0x2] =	stream.indirect.gather [hbm4b:s4+s14], $0x40, s16, s14, $0xb8;
	[tilespmem:$0x12980] =	vst v63  }
0x93: {  	_ =	swait.ge [sflag:s18], $0x3E80  }
0x94: {  	[sflag:s18] =	ssyncset.done $0x0  }
0x95: {  	[sflag:s18] =	ssyncadd.s32 $0xFFFFC180  }
0x96: {  	[spmem:s2] =	stream.indirect.scatter.add.bf16 [tilespmem:s15], [sflag:$0x3], $0x40, s13, s14, $0xb8;
	[tilespmem:$0x12980] =	vst v63  }
0x97: {  	_ =	swait.ge [sflag:s11], $0x3E80  }
0x98: {  	[sflag:s11] =	ssyncset.done $0x0  }
0x99: {  	[sflag:s11] =	ssyncadd.s32 $0xFFFFC180  }
0x9a: {  	[tilespmem:s15], [sflag:$0x1] =	stream.indirect.gather [hbm4b:s4+s14], $0x40, s19, s14, $0xb8;
	[tilespmem:$0x12980] =	vst v63  }
0x9b: {  	_ =	swait.ge [sflag:s20], $0x3E80  }
0x9c: {  	[sflag:s20] =	ssyncset.done $0x0  }
0x9d: {  	[sflag:s20] =	ssyncadd.s32 $0xFFFFC180  }
0x9e: {  	[spmem:s2] =	stream.indirect.scatter.add.bf16 [tilespmem:s17], [sflag:$0x3], $0x40, s21, s14, $0xb8;
	[tilespmem:$0x12980] =	vst v63  }
0x9f: {  	_ =	swait.ge [sflag:s11], $0x3E80  }
0xa0: {  	[sflag:s11] =	ssyncset.done $0x0  }
0xa1: {  	[sflag:s11] =	ssyncadd.s32 $0xFFFFC180  }
0xa2: {  	[tilespmem:s17], [sflag:$0x2] =	stream.indirect.gather [hbm4b:s4+s14], $0x40, s22, s14, $0xb8;
	[tilespmem:$0x12980] =	vst v63  }
0xa3: {  	_ =	swait.ge [sflag:s18], $0x3E80  }
0xa4: {  	[sflag:s18] =	ssyncset.done $0x0  }
0xa5: {  	[sflag:s18] =	ssyncadd.s32 $0xFFFFC180  }
0xa6: {  	[spmem:s2] =	stream.indirect.scatter.add.bf16 [tilespmem:s15], [sflag:$0x3], $0x40, s23, s14, $0xb8;
	[tilespmem:$0x12980] =	vst v63  }
0xa7: {  	_ =	swait.ge [sflag:s11], $0x3E80  }
0xa8: {  	[sflag:s11] =	ssyncset.done $0x0  }
0xa9: {  	[sflag:s11] =	ssyncadd.s32 $0xFFFFC180  }
0xaa: {  	[tilespmem:s15], [sflag:$0x1] =	stream.indirect.gather [hbm4b:s4+s14], $0x40, s24, s14, $0xb8;
	[tilespmem:$0x12980] =	vst v63  }
0xab: {  	_ =	swait.ge [sflag:s20], $0x3E80  }
0xac: {  	[sflag:s20] =	ssyncset.done $0x0  }
0xad: {  	[sflag:s20] =	ssyncadd.s32 $0xFFFFC180  }
0xae: {  	[spmem:s2] =	stream.indirect.scatter.add.bf16 [tilespmem:s17], [sflag:$0x3], $0x40, s26, s14, $0xb8;
	[tilespmem:$0x12980] =	vst v63  }
0xaf: {  	_ =	swait.ge [sflag:s11], $0x3E80  }
0xb0: {  	[sflag:s11] =	ssyncset.done $0x0  }
0xb1: {  	[sflag:s11] =	ssyncadd.s32 $0xFFFFC180  }
0xb2: {  	_ =	swait.ge [sflag:s18], $0x3E80  }
0xb3: {  	[sflag:s18] =	ssyncset.done $0x0  }
0xb4: {  	[sflag:s18] =	ssyncadd.s32 $0xFFFFC180  }
0xb5: {  	[spmem:s2] =	stream.indirect.scatter.add.bf16 [tilespmem:s15], [sflag:$0x3], $0x40, s28, s14, $0xb8;
	[tilespmem:$0x12980] =	vst v63  }
0xb6: {  	_ =	swait.ge [sflag:s11], $0x3E80  }
0xb7: {  	[sflag:s11] =	ssyncset.done $0x0  }
0xb8: {  	s31 =	stileid.u32;
	s29 =	sadd.s32 $0x1, s29;
	[sflag:s11] =	ssyncadd.s32 $0xFFFFC180  }
0xb9: {  	s0 =	sshll.u32 s31, $0x6;
	p0 =	sne.s32 s29, s6;
	[bflag:$0x0] =	sbarrier.arrive $0xFFFF  }
.Ltmp3:
0xba: {  	s0 =	sor.u32 $0x1C03, s0;
	s1 =	rddreg [dreg:$0x4];
	(pc) =	sbr.rel @p0 .LBB2_1-.Ltmp3, $4  }
0xbb: {  	[hbm:s1], [sflag:s0] =	dma.local [spmem:s25], $0x1388  }
0xbc: {  	_ =	swait.ge [sflag:s11], $0x1388  }
0xbd: {  	[sflag:s11] =	ssyncset.done $0x0  }
0xbe: {  	[sflag:s11] =	ssyncadd.s32 $0xFFFFEC78  }
0xbf: {  	_ =	sfence.sel $0x180000  }
0xc0: {  	[bflag:$0x0] =	sbarrier.arrive $0xFFFF  }
0xc1: {  	_ =	strace $0x9000004A  }
0xc2: {  	s0 =	stileid.u32;
	[bflag:$0x2] =	sbarrier.arrive $0xFFFF  }
0xc3: {  	p0 =	sne.s32 s0, $0x0;
	s0 =	rddreg [dreg:$0x3]  }
0xc4: {  	s0 =	sadd.s32 @!p0 $0x100000, s0  }
0xc5: {  	[sflag:s0] =	ssyncadd.tile.s32 @!p0 $0x1;
	_ =	shalt  }
.Lfunc_end2:
_tile_overlayer_lowered:
.L_overlay_start_2:
0xc6: {  	(tag) =	ssettag $0x2  }
0xc7: {  	s0 =	rddreg [dreg:$0x0];
	s2 =	stileid.u32  }
0xc8: {  	s1 =	rddreg [dreg:$0x1];
	p0 =	sne.s32 s2, $0x0  }
0xc9: {  	s3 =	rddreg [dreg:$0x2];
	[bflag:$0x3] =	sbarrier.arrive $0xFFFF;
	s2 =	simm.s32 @!p0 $0x1C03  }
0xca: {  	[timem:s3], [sflag:s2] =	dma.local @!p0 [hbm:s0], s1  }
0xcb: {  	s0 =	simm.s32 @!p0 $0x3  }
0xcc: {  	_ =	swait.ge @!p0 [sflag:s0], s1  }
0xcd: {  	s1 =	ssub.s32 @!p0 $0x0, s1;
	[sflag:s0] =	ssyncset.done @!p0 $0x0  }
0xce: {  	[sflag:s0] =	ssyncadd.s32 @!p0 s1  }
0xcf: {  	[bflag:$0x3] =	sbarrier.arrive $0xFFFF  }
0xd0: {  	_ =	shalt  }

// kernel: kernel.8.cloned.1.call-start
scs
__scs_entry_jumppad:
0x0: {  	(pc) =	sbr.rel $0x88, $3  }
0x1: {  	(tag) =	ssettag $0x0;
	lr =	simm.s32 $0x1  }
0x2: {  	[smem:$0x3F99] =	sst lr;
	_ =	strace $0xD0000000  }
0x3: {  	_ = 	snop  }
0x4: {  	_ = 	snop  }
0x5: {  	_ = 	snop  }
0x6: {  	_ = 	snop  }
0x7: {  	_ = 	snop  }
__scs_overlays_trampoline_lowered:
0x8: {  	[smem:$0x3FA8] =	sst s0  }
0x9: {  	[smem:$0x3FA9] =	sst s1  }
0xa: {  	[smem:$0x3FAA] =	sst s2  }
0xb: {  	[smem:$0x3FAB] =	sst s3  }
0xc: {  	[smem:$0x3FAC] =	sst s4  }
0xd: {  	[smem:$0x3FAD] =	sst s5  }
0xe: {  	[smem:$0x3FAE] =	sst s6  }
0xf: {  	[smem:$0x3FAF] =	sst s7  }
0x10: {  	[smem:$0x3FB0] =	sst s8  }
0x11: {  	[smem:$0x3FB1] =	sst s9;
	s0 =	simm.s32 @!p0 $0x0  }
0x12: {  	s1 =	sld [smem:$0x3F97];
	s0 =	simm.s32 @p0 $0x1  }
0x13: {  	[smem:$0x3FB2] =	sst s0;
	s0 =	simm.s32 @!p1 $0x0  }
0x14: {  	s2 =	sld [smem:$0x3F96];
	s0 =	simm.s32 @p1 $0x1  }
0x15: {  	[smem:$0x3FB3] =	sst s0;
	s0 =	simm.s32 @!p2 $0x0  }
0x16: {  	s3 =	sld [smem:$0x3FDB];
	s0 =	simm.s32 @p2 $0x1  }
0x17: {  	s4 =	simm.s32 $0x1BF5;
	[smem:$0x3FB5] =	sst s0  }
0x18: {  	s0 =	sld [smem:$0x3F98];
	_ =	swait.ge [sflag:s4], $0x0  }
0x19: {  	s7 =	sld [smem:$0x3F99]  }
0x1a: {  	s8 =	sadd.s32 $0xFFFFE003, lr  }
0x1b: {  	s9 =	sadd.s32 $0xFFFFFEF7, lr;
	s5 =	simm.s32 $0xFFFFFFFF;
	p2 =	slt.u32 s8, $0xFFFFF086  }
0x1c: {  	p1 =	slt.u32 s9, $0xF7A;
	s5 =	simm.s32 @!p2 $0x0  }
0x1d: {  	s5 =	simm.s32 @p1 $0x1;
	p0 =	seq.s32 s7, s2  }
0x1e: {  	s7 =	smul.u32 @!p0 $0xF7A, s2;
	p2 =	seq.s32 @!p0 s5, $0x0  }
0x1f: {  	s9 =	smul.u32 $0xF7A, s1;
	s8 =	simm.s32 @!p0 $0x1BF5;
	p2 =	por !p2, p0  }
0x20: {  	[sflag:s8] =	ssyncset.s32 @!p0 $0xFFFFF086;
	s6 =	sadd.s32 @!p0 s3, s7;
	s7 =	simm.s32 @!p0 $0x108  }
0x21: {  	s3 =	sadd.s32 s3, s9;
	s6 =	sadd.s32 @!p0 $0x88, s6;
	s7 =	simm.s32 @p2 $0x1082  }
0x22: {  	[simem:s7], [sflag:s8] =	dma.local @!p0 [hbm:s6], $0xF7A  }
0x23: {  	s9 =	sor.u32 $0xD0000000, s2;
	s6 =	simm.s32 $0x108;
	_ =	swait.ge @!p0 [sflag:s8], $0x0  }
0x24: {  	s3 =	sadd.s32 $0x88, s3;
	s6 =	simm.s32 @!p1 $0x1082;
	[sflag:s4] =	ssyncset.s32 $0xFFFFF086  }
0x25: {  	[simem:s6], [sflag:s4] =	dma.local [hbm:s3], $0xF7A  }
0x26: {  	[smem:$0x3F99] =	sst s1;
	(tag) =	ssettag s2;
	_ =	strace s9  }
0x27: {  	s1 =	sld [smem:$0x3FA9]  }
0x28: {  	s2 =	sld [smem:$0x3FAA]  }
0x29: {  	s4 =	sld [smem:$0x3FAC]  }
0x2a: {  	p0 =	seq.s32 s5, $0x0;
	s5 =	sld [smem:$0x3FAD]  }
0x2b: {  	s6 =	sld [smem:$0x3FAE]  }
0x2c: {  	s7 =	sld [smem:$0x3FAF]  }
0x2d: {  	s3 =	simm.s32 $0x108;
	s8 =	sld [smem:$0x3FB0]  }
0x2e: {  	s3 =	simm.s32 @!p0 $0x1082;
	s9 =	sld [smem:$0x3FB1]  }
0x2f: {  	lr =	sadd.s32 s0, s3;
	s0 =	sld [smem:$0x3FA8]  }
0x30: {  	s3 =	sld [smem:$0x3FAB]  }
0x31: {  	[smem:$0x3FB4] =	sst s10  }
0x32: {  	s10 =	sld [smem:$0x3FB2];
	_ =	sdelay $0x3  }
0x33: {  	p0 =	seq.s32 s10, $0x1;
	s10 =	sld [smem:$0x3FB4];
	_ =	sdelay $0x3  }
0x34: {  	[smem:$0x3FB4] =	sst s10  }
0x35: {  	s10 =	sld [smem:$0x3FB3];
	_ =	sdelay $0x3  }
0x36: {  	p1 =	seq.s32 s10, $0x1;
	s10 =	sld [smem:$0x3FB4];
	_ =	sdelay $0x3  }
0x37: {  	[smem:$0x3FB4] =	sst s10  }
0x38: {  	s10 =	sld [smem:$0x3FB5]  }
0x39: {  	_ = 	snop;
	(pc) =	sbr.ind lr, $3  }
0x3a: {  	_ = 	snop  }
0x3b: {  	_ = 	snop  }
0x3c: {  	p2 =	seq.s32 s10, $0x1;
	s10 =	sld [smem:$0x3FB4]  }
0x3d: {  	_ =	shalt  }
0x3e: {  	_ =	shalt  }
0x3f: {  	_ =	shalt  }
0x40: {  	_ =	shalt  }
0x41: {  	_ =	shalt  }
0x42: {  	_ =	shalt  }
0x43: {  	_ =	shalt  }
0x44: {  	_ =	shalt  }
0x45: {  	_ =	shalt  }
0x46: {  	_ =	shalt  }
0x47: {  	_ =	shalt  }
0x48: {  	_ =	shalt  }
0x49: {  	_ =	shalt  }
0x4a: {  	_ =	shalt  }
0x4b: {  	_ =	shalt  }
0x4c: {  	_ =	shalt  }
0x4d: {  	_ =	shalt  }
0x4e: {  	_ =	shalt  }
0x4f: {  	_ =	shalt  }
0x50: {  	_ =	shalt  }
0x51: {  	_ =	shalt  }
0x52: {  	_ =	shalt  }
0x53: {  	_ =	shalt  }
0x54: {  	_ =	shalt  }
0x55: {  	_ =	shalt  }
0x56: {  	_ =	shalt  }
0x57: {  	_ =	shalt  }
0x58: {  	_ =	shalt  }
0x59: {  	_ =	shalt  }
0x5a: {  	_ =	shalt  }
0x5b: {  	_ =	shalt  }
0x5c: {  	_ =	shalt  }
0x5d: {  	_ =	shalt  }
0x5e: {  	_ =	shalt  }
0x5f: {  	_ =	shalt  }
0x60: {  	_ =	shalt  }
0x61: {  	_ =	shalt  }
0x62: {  	_ =	shalt  }
0x63: {  	_ =	shalt  }
0x64: {  	_ =	shalt  }
0x65: {  	_ =	shalt  }
0x66: {  	_ =	shalt  }
0x67: {  	_ =	shalt  }
0x68: {  	_ =	shalt  }
0x69: {  	_ =	shalt  }
0x6a: {  	_ =	shalt  }
0x6b: {  	_ =	shalt  }
0x6c: {  	_ =	shalt  }
0x6d: {  	_ =	shalt  }
0x6e: {  	_ =	shalt  }
0x6f: {  	_ =	shalt  }
0x70: {  	_ =	shalt  }
0x71: {  	_ =	shalt  }
0x72: {  	_ =	shalt  }
0x73: {  	_ =	shalt  }
0x74: {  	_ =	shalt  }
0x75: {  	_ =	shalt  }
0x76: {  	_ =	shalt  }
0x77: {  	_ =	shalt  }
0x78: {  	_ =	shalt  }
0x79: {  	_ =	shalt  }
0x7a: {  	_ =	shalt  }
0x7b: {  	_ =	shalt  }
0x7c: {  	_ =	shalt  }
0x7d: {  	_ =	shalt  }
0x7e: {  	_ =	shalt  }
0x7f: {  	_ =	shalt  }
0x80: {  	_ =	shalt  }
0x81: {  	_ =	shalt  }
0x82: {  	_ =	shalt  }
0x83: {  	_ =	shalt  }
0x84: {  	_ =	shalt  }
0x85: {  	_ =	shalt  }
0x86: {  	_ =	shalt  }
0x87: {  	_ =	shalt  }
.Lfunc_end0:
.L_simem_size_0:
called_computation_lowered:
.L_overlay_start_0:
0x88: {  	s2 =	sld [smem:$0x3FD9]  }
0x89: {  	s3 =	sld [smem:$0x3FFE];
	_ =	sdelay $0x1  }
0x8a: {  	s1 =	srdreg.scid  }
0x8b: {  	s0 =	sand.u32 $0x1, s1  }
0x8c: {  	s17 =	sshll.u32 s0, $0xA;
	s2 =	sadd.s32 s3, s2  }
0x8d: {  	s2 =	sadd.s32 s2, s17  }
0x8e: {  	[smem:$0x3FC0] =	sst s2  }
0x8f: {  	_ = 	snop  }
0x90: {  	s2 =	sld [smem:$0x3FD0];
	(tm) =	ssettm $0x1  }
0x91: {  	s18 =	sld [smem:$0x3FFB];
	_ =	sdelay $0x3  }
0x92: {  	_ =	strace s18  }
0x93: {  	s3 =	sld [smem:$0x3FFC];
	_ =	sdelay $0x3  }
0x94: {  	_ =	strace s3  }
0x95: {  	s3 =	sld [smem:$0x3FFD];
	_ =	sdelay $0x3  }
0x96: {  	_ =	strace s3  }
0x97: {  	_ =	strace $0x8FFFFFFF  }
0x98: {  	s19 =	sld [smem:$0x3FDB];
	_ =	sdelay $0x1  }
0x99: {  	s4 =	simm.s32 $_scs_section_size  }
0x9a: {  	s5 =	simm.s32 $_size__tile_overlayer_lowered;
	s6 =	simm.s32 $_tile_overlayer_lowered  }
0x9b: {  	s22 =	simm.s32 $0x1BFF;
	s21 =	sshll.u32 s6, $0x1;
	s3 =	sadd.s32 s4, s19  }
0x9c: {  	s7 =	simm.s32 $0x0;
	s20 =	sshll.u32 s5, $0x1;
	s5 =	sadd.s32 s21, s3  }
0x9d: {  	[timem:s7], [sflag:s22] =	dma.local [hbm:s5], s20  }
0x9e: {  	_ =	swait.ge [sflag:s22], s20  }
0x9f: {  	s4 =	ssub.s32 $0x0, s20;
	[sflag:s22] =	ssyncset.done $0x0  }
0xa0: {  	[sflag:s22] =	ssyncadd.s32 s4;
	_ =	sdelay $0x1  }
0xa1: {  	s23 =	simm.s32 $0x1B8B  }
0xa2: {  	_ =	swait.ge [sflag:s23], $0x1  }
0xa3: {  	[sflag:s23] =	ssyncset.done $0x0  }
0xa4: {  	s25 =	simm.s32 $0x1B8E;
	s24 =	sld [smem:$0x3FFE];
	[sflag:s23] =	ssyncadd.s32 $0xFFFFFFFF  }
0xa5: {  	s26 =	simm.s32 $execute0_lowered;
	[smem:$0x3FD2] =	sst s25  }
0xa6: {  	s5 =	sshll.u32 s26, $0x1;
	_ =	strace $0x80000046;
	[dreg:$0x1] =	wrdreg $0xFFFFFFFF  }
0xa7: {  	s28 =	simm.s32 $_size_execute0_lowered;
	s3 =	sadd.s32 s3, s5;
	[dreg:$0x0] =	wrdreg $0x0  }
0xa8: {  	s5 =	sshll.u32 s28, $0x1;
	[dreg:$0x2] =	wrdreg s3  }
0xa9: {  	[dreg:$0x3] =	wrdreg s5  }
0xaa: {  	[dreg:$0x4] =	wrdreg $0xC0  }
0xab: {  	_ =	task [dreg:s7], $0x5FFFF  }
0xac: {  	[dreg:$0x1] =	wrdreg $0xFFFFFFFF  }
0xad: {  	[dreg:$0x0] =	wrdreg $0x60  }
0xae: {  	[dreg:$0x2] =	wrdreg s24  }
0xaf: {  	[dreg:$0x3] =	wrdreg s2  }
0xb0: {  	[dreg:$0x4] =	wrdreg $0x0  }
0xb1: {  	[dreg:$0x5] =	wrdreg $0x9C400  }
0xb2: {  	[dreg:$0x6] =	wrdreg $0x9  }
0xb3: {  	_ =	task.clear_ibuf [dreg:s7], $0x7FFFF;
	_ =	strace $0x90000046  }
0xb4: {  	s29 =	simm.s32 $0x9;
	_ =	strace $0x80000048  }
0xb5: {  	_ =	swait.ge [sflag:s29], $0x1  }
0xb6: {  	[sflag:s29] =	ssyncadd.s32 $0xFFFFFFFF  }
0xb7: {  	_ =	strace $0x90000048  }
0xb8: {  	_ =	sfence  }
0xb9: {  	s30 =	sld [smem:$0x0];
	_ =	sdelay $0x2  }
0xba: {  	s31 =	sshll.u32 s1, $0xD;
	s1 =	sshrl.u32 s1, $0x2  }
0xbb: {  	s3 =	sand.u32 $0x4000, s31;
	s1 =	sadd.s32 s1, s30  }
0xbc: {  	s0 =	sor.u32 s3, s0;
	s1 =	sshll.u32 s1, $0x11  }
0xbd: {  	s0 =	sor.u32 s1, s0  }
0xbe: {  	s0 =	sadd.s32 $0x8F2B, s0  }
0xbf: {  	[sflag:s0] =	ssyncadd.remote.s32 $0x1  }
0xc0: {  	_ =	sfence.sel $0xFFFF  }
0xc1: {  	[dreg:$0x0] =	wrdreg $0xFFFFFFFF;
	(pc) =	sbr.abs _section_cstart, $3  }
0xc2: {  	[dreg:$0x1] =	wrdreg $0xFFFFFFFF  }
0xc3: {  	_ =	task.clear_ibuf [dreg:s7], $0x2FFFF;
	_ =	strace $0x9FFFFFFF  }
0xc4: {  	(tm) =	ssettm $0x7FFFFFFF  }
0xc5: {  	_ =	shalt  }
tec
execute0_lowered:
.L_overlay_start_1:
0x0: {  	(tag) =	ssettag $0x1  }
0x1: {  	s0 =	rddreg [dreg:$0x0]  }
0x2: {  	s1 =	rddreg [dreg:$0x1]  }
0x3: {  	s3 =	srdreg.scid;
	s12 =	stileid.u32  }
0x4: {  	s2 =	rddreg [dreg:$0x2];
	s4 =	simm.s32 $0x0;
	s8 =	smul.u32 $0x2800, s12  }
0x5: {  	s13 =	simm.s32 $0x14A50;
	s14 =	simm.s32 $0x3;
	s10 =	smul.u32 $0x2710, s12  }
0x6: {  	s15 =	simm.s32 $0x15090;
	s16 =	simm.s32 $0xC350;
	s11 =	smul.u32 $0x13880, s12  }
0x7: {  	s17 =	simm.s32 $0xC850;
	s18 =	simm.s32 $0xFA;
	s23 =	smul.u32 $0x9C40, s12  }
0x8: {  	s28 =	simm.s32 $0x2;
	s6 =	sand.u32 $0x1, s3;
	s12 =	smul.u32 $0x27100, s12  }
0x9: {  	s29 =	simm.s32 $0xC950;
	s30 =	simm.s32 $0xC650;
	s7 =	smul.u32 $0x28000, s6  }
0xa: {  	s31 =	simm.s32 $0xCA50;
	s3 =	rddreg [dreg:$0x3];
	s9 =	smul.u32 $0x27100, s6  }
0xb: {  	[smem:$0x7FF] =	sst s4;
	s20 =	smul.u32 $0x138800, s6;
	s6 =	ssub.s32 $0x2, s6  }
0xc: {  	s5 =	sadd.s32 $0x2A00, s0;
	_ =	strace $0x80000047;
	s21 =	sshrl.u32 s6, $0x1  }
0xd: {  	s24 =	sshrl.u32 s23, $0x2;
	s25 =	sshrl.u32 s12, $0x2;
	s23 =	simm.s32 $0x15220  }
0xe: {  	s7 =	sadd.s32 s8, s7;
	s19 =	sadd.s32 s10, s9;
	s6 =	ssub.s32 s6, s21  }
0xf: {  	s22 =	sadd.s32 s11, s20;
	s11 =	sshrl.u32 s11, $0x1;
	s9 =	sadd.s32 s24, s3  }
0x10: {  	s26 =	sadd.s32 s25, s2;
	s20 =	simm.s32 $0xC450;
	s21 =	simm.s32 $0x10BD0  }
0x11: {  	s7 =	sshrl.u32 s7, $0x3;
	s8 =	sshrl.u32 s19, $0x3;
	s6 =	smax.u32 s6, $0x1  }
0x12: {  	[dreg:$0x8] =	wrdreg s26;
	s19 =	simm.s32 $0xCD50;
	s26 =	simm.s32 $0xC550  }
0x13: {  	s7 =	sadd.s32 s7, s0;
	s0 =	sadd.s32 s8, s0;
	s8 =	sshrl.u32 s22, $0x4  }
0x14: {  	[dreg:$0x7] =	wrdreg s6;
	s22 =	simm.s32 $0x1;
	s6 =	simm.s32 $0xCC50  }
0x15: {  	s1 =	sadd.s32 s1, s8;
	s0 =	sadd.s32 $0x2A400, s0;
	s12 =	sadd.s32 $0x20400, s7  }
0x16: {  	s8 =	simm.s32 $0x0;
	[dreg:$0x5] =	wrdreg s1;
	s1 =	sadd.s32 s11, s2  }
0x17: {  	[dreg:$0x6] =	wrdreg s0;
	s0 =	sadd.s32 s10, s3;
	s1 =	sshrl.u32 s1, $0x3  }
0x18: {  	s11 =	sadd.s32 $0x16400, s7;
	s0 =	sshrl.u32 s0, $0x3;
	[dreg:$0x9] =	wrdreg s1  }
0x19: {  	v0 =	vimm.bf16 $0.0e+00;
	v1 =	vimm.f32 $0.0e+00;
	v2 =	vimm.f32 $1.000000000e+00;
	[dreg:$0xa] =	wrdreg s0;
	s1 =	simm.s32 $0xC750;
	s0 =	simm.s32 $0xCB50  }
.LBB2_1:
0x1a: {  	[dreg:$0xb] =	wrdreg s8;
	s24 =	simm.s32 $0x100;
	s8 =	simm.s32 $0x0  }
.LBB2_2:
0x1b: {  	p0 =	sne.s32 s24, $0x1800;
	[tilespmem:s8+$0x14A80] =	vst v0;
	s25 =	smov.u32 s24;
	s24 =	sadd.s32 $0x100, s24  }
.Ltmp0:
0x1c: {  	[tilespmem:s8+$0x14A70] =	vst v0;
	(pc) =	sbr.rel @p0 .LBB2_2-.Ltmp0, $3  }
0x1d: {  	[tilespmem:s8+$0x14A50] =	vst v0  }
0x1e: {  	[tilespmem:s8+$0x14A60] =	vst v0;
	_ =	sdelay $0x1  }
0x1f: {  	s8 =	sshra.s32 s25, $0x2  }
0x20: {  	[tilespmem:s8+$0x14A80] =	vst v0  }
0x21: {  	[tilespmem:s8+$0x14A70] =	vst v0  }
0x22: {  	[tilespmem:s8+$0x14A50] =	vst v0  }
0x23: {  	[tilespmem:s8+$0x14A60] =	vst v0  }
0x24: {  	[tilespmem:$0x15090] =	vst v1  }
0x25: {  	[tilespmem:$0x150A0] =	vst v1  }
0x26: {  	[tilespmem:$0x150B0] =	vst v1  }
0x27: {  	[tilespmem:$0x150C0] =	vst v1  }
0x28: {  	[tilespmem:$0x150D0] =	vst v1  }
0x29: {  	[tilespmem:$0x150E0] =	vst v1  }
0x2a: {  	[tilespmem:$0x150F0] =	vst v1  }
0x2b: {  	[tilespmem:$0x15100] =	vst v1  }
0x2c: {  	[tilespmem:$0x15110] =	vst v1  }
0x2d: {  	[tilespmem:$0x15120] =	vst v1  }
0x2e: {  	[tilespmem:$0x15130] =	vst v1  }
0x2f: {  	[tilespmem:$0x15140] =	vst v1  }
0x30: {  	[tilespmem:$0x15150] =	vst v1  }
0x31: {  	[tilespmem:$0x15160] =	vst v1  }
0x32: {  	[tilespmem:$0x15170] =	vst v1  }
0x33: {  	[tilespmem:$0x15180] =	vst v1  }
0x34: {  	[tilespmem:$0x15190] =	vst v1  }
0x35: {  	[tilespmem:$0x151A0] =	vst v1  }
0x36: {  	[tilespmem:$0x151B0] =	vst v1  }
0x37: {  	[tilespmem:$0x151C0] =	vst v1  }
0x38: {  	[tilespmem:$0x151D0] =	vst v1  }
0x39: {  	[tilespmem:$0x151E0] =	vst v1  }
0x3a: {  	[tilespmem:$0x151F0] =	vst v1  }
0x3b: {  	[tilespmem:$0x15200] =	vst v1  }
0x3c: {  	s8 =	simm.s32 $0x40;
	s24 =	simm.s32 $0x0;
	[tilespmem:$0x15210] =	vst v1  }
.LBB2_4:
0x3d: {  	p0 =	sne.s32 s8, $0x3E40;
	[tilespmem:s24+$0x15220] =	vst v2;
	s24 =	smov.u32 s8;
	s8 =	sadd.s32 $0x40, s8  }
.Ltmp1:
0x3e: {  	(pc) =	sbr.rel @p0 .LBB2_4-.Ltmp1, $2  }
0x3f: {  	_ =	sdelay $0x2  }
0x40: {  	s24 =	sshra.s32 s24, $0x2  }
0x41: {  	[tilespmem:s24+$0x15220] =	vst v2;
	s24 =	rddreg [dreg:$0x8]  }
0x42: {  	[spmem:s24] =	stream.linear.scatter [tilespmem:s13], [sflag:$0x3], $0x640, $0x38;
	[tilespmem:$0x161C0] =	vst v63  }
0x43: {  	_ =	swait.ge [sflag:s14], $0x640  }
0x44: {  	[sflag:s14] =	ssyncset.done $0x0  }
0x45: {  	s8 =	sadd.s32 $0x0, s9;
	[sflag:s14] =	ssyncadd.s32 $0xFFFFF9C0  }
0x46: {  	[spmem:s8] =	stream.linear.scatter [tilespmem:s15], [sflag:$0x3], $0x190, $0x38;
	[tilespmem:$0x161C0] =	vst v63  }
0x47: {  	_ =	swait.ge [sflag:s14], $0x190  }
0x48: {  	s8 =	simm.s32 $0x640;
	[sflag:s14] =	ssyncset.done $0x0  }
.LBB2_6:
0x49: {  	p0 =	sne.s32 s8, $0x9600;
	[sflag:s14] =	ssyncadd.s32 $0xFFFFFE70;
	s24 =	sadd.s32 $0x640, s24  }
0x4a: {  	[spmem:s24] =	stream.linear.scatter [tilespmem:s13], [sflag:$0x3], $0x640, $0x38;
	[tilespmem:$0x161C0] =	vst v63  }
0x4b: {  	s25 =	smov.u32 s8;
	s8 =	sadd.s32 $0x640, s8;
	_ =	swait.ge [sflag:s14], $0x640  }
.Ltmp2:
0x4c: {  	s25 =	sshra.s32 s25, $0x2;
	[sflag:s14] =	ssyncset.done $0x0;
	(pc) =	sbr.rel @p0 .LBB2_6-.Ltmp2, $4  }
0x4d: {  	s25 =	sadd.s32 s25, s9;
	[sflag:s14] =	ssyncadd.s32 $0xFFFFF9C0  }
0x4e: {  	[spmem:s25] =	stream.linear.scatter [tilespmem:s15], [sflag:$0x3], $0x190, $0x38;
	[tilespmem:$0x161C0] =	vst v63  }
0x4f: {  	_ =	swait.ge [sflag:s14], $0x190  }
0x50: {  	[sflag:s14] =	ssyncset.done $0x0  }
0x51: {  	[sflag:s14] =	ssyncadd.s32 $0xFFFFFE70  }
0x52: {  	s8 =	sadd.s32 $0x0, s12;
	[bflag:$0x0] =	sbarrier.arrive $0xFFFF  }
0x53: {  	[tilespmem:s16], [sflag:$0x3] =	stream.linear.gather [hbm4b:s8+s4], $0x500, $0x38;
	[tilespmem:$0x161C0] =	vst v63  }
0x54: {  	_ =	swait.ge [sflag:s14], $0x500  }
0x55: {  	[sflag:s14] =	ssyncset.done $0x0  }
0x56: {  	s25 =	sadd.s32 $0x0, s11;
	[sflag:s14] =	ssyncadd.s32 $0xFFFFFB00  }
0x57: {  	[tilespmem:s17], [sflag:$0x3] =	stream.linear.gather [hbm4b:s25+s4], $0x500, $0x38;
	[tilespmem:$0x161C0] =	vst v63  }
0x58: {  	_ =	swait.ge [sflag:s14], $0x500  }
0x59: {  	[sflag:s14] =	ssyncset.done $0x0  }
0x5a: {  	[sflag:s14] =	ssyncadd.s32 $0xFFFFFB00  }
0x5b: {  	[tilespmem:s19], [sflag:$0x1] =	stream.indirect.gather [hbm4b:s5+s18], $0x40, s16, s18, $0xb8;
	[tilespmem:$0x161C0] =	vst v63  }
0x5c: {  	_ = 	snop  }
0x5d: {  	[tilespmem:s21], [sflag:$0x2] =	stream.indirect.gather [hbm4b:s5+s18], $0x40, s20, s18, $0xb8;
	[tilespmem:$0x161C0] =	vst v63  }
0x5e: {  	_ =	swait.ge [sflag:s22], $0x3E80  }
0x5f: {  	[sflag:s22] =	ssyncset.done $0x0  }
0x60: {  	[sflag:s22] =	ssyncadd.s32 $0xFFFFC180  }
0x61: {  	[spmem:s2] =	stream.indirect.scatter.add.bf16 [tilespmem:s19], [sflag:$0x3], $0x40, s17, s18, $0xb8;
	[tilespmem:$0x161C0] =	vst v63  }
0x62: {  	_ =	swait.ge [sflag:s14], $0x3E80  }
0x63: {  	[sflag:s14] =	ssyncset.done $0x0  }
0x64: {  	[sflag:s14] =	ssyncadd.s32 $0xFFFFC180  }
0x65: {  	[spmem:s3] =	stream.indirect.scatter.add.f32 [tilespmem:s23], [sflag:$0x3], $0x10, s17, s18, $0xb8;
	[tilespmem:$0x161C0] =	vst v63  }
0x66: {  	_ =	swait.ge [sflag:s14], $0xFA0  }
0x67: {  	[sflag:s14] =	ssyncset.done $0x0  }
0x68: {  	[sflag:s14] =	ssyncadd.s32 $0xFFFFF060  }
0x69: {  	[tilespmem:s19], [sflag:$0x1] =	stream.indirect.gather [hbm4b:s5+s18], $0x40, s26, s18, $0xb8;
	[tilespmem:$0x161C0] =	vst v63  }
0x6a: {  	_ =	swait.ge [sflag:s28], $0x3E80  }
0x6b: {  	[sflag:s28] =	ssyncset.done $0x0  }
0x6c: {  	[sflag:s28] =	ssyncadd.s32 $0xFFFFC180  }
0x6d: {  	[spmem:s2] =	stream.indirect.scatter.add.bf16 [tilespmem:s21], [sflag:$0x3], $0x40, s29, s18, $0xb8;
	[tilespmem:$0x161C0] =	vst v63  }
0x6e: {  	_ =	swait.ge [sflag:s14], $0x3E80  }
0x6f: {  	[sflag:s14] =	ssyncset.done $0x0  }
0x70: {  	[sflag:s14] =	ssyncadd.s32 $0xFFFFC180  }
0x71: {  	[spmem:s3] =	stream.indirect.scatter.add.f32 [tilespmem:s23], [sflag:$0x3], $0x10, s29, s18, $0xb8;
	[tilespmem:$0x161C0] =	vst v63  }
0x72: {  	_ =	swait.ge [sflag:s14], $0xFA0  }
0x73: {  	[sflag:s14] =	ssyncset.done $0x0  }
0x74: {  	[sflag:s14] =	ssyncadd.s32 $0xFFFFF060  }
0x75: {  	[tilespmem:s21], [sflag:$0x2] =	stream.indirect.gather [hbm4b:s5+s18], $0x40, s30, s18, $0xb8;
	[tilespmem:$0x161C0] =	vst v63  }
0x76: {  	_ =	swait.ge [sflag:s22], $0x3E80  }
0x77: {  	[sflag:s22] =	ssyncset.done $0x0  }
0x78: {  	[sflag:s22] =	ssyncadd.s32 $0xFFFFC180  }
0x79: {  	[spmem:s2] =	stream.indirect.scatter.add.bf16 [tilespmem:s19], [sflag:$0x3], $0x40, s31, s18, $0xb8;
	[tilespmem:$0x161C0] =	vst v63  }
0x7a: {  	_ =	swait.ge [sflag:s14], $0x3E80  }
0x7b: {  	[sflag:s14] =	ssyncset.done $0x0  }
0x7c: {  	[sflag:s14] =	ssyncadd.s32 $0xFFFFC180  }
0x7d: {  	[spmem:s3] =	stream.indirect.scatter.add.f32 [tilespmem:s23], [sflag:$0x3], $0x10, s31, s18, $0xb8;
	[tilespmem:$0x161C0] =	vst v63  }
0x7e: {  	_ =	swait.ge [sflag:s14], $0xFA0  }
0x7f: {  	[sflag:s14] =	ssyncset.done $0x0  }
0x80: {  	[sflag:s14] =	ssyncadd.s32 $0xFFFFF060  }
0x81: {  	[tilespmem:s19], [sflag:$0x1] =	stream.indirect.gather [hbm4b:s5+s18], $0x40, s1, s18, $0xb8;
	[tilespmem:$0x161C0] =	vst v63  }
0x82: {  	_ =	swait.ge [sflag:s28], $0x3E80  }
0x83: {  	[sflag:s28] =	ssyncset.done $0x0  }
0x84: {  	[sflag:s28] =	ssyncadd.s32 $0xFFFFC180  }
0x85: {  	[spmem:s2] =	stream.indirect.scatter.add.bf16 [tilespmem:s21], [sflag:$0x3], $0x40, s0, s18, $0xb8;
	[tilespmem:$0x161C0] =	vst v63  }
0x86: {  	_ =	swait.ge [sflag:s14], $0x3E80  }
0x87: {  	[sflag:s14] =	ssyncset.done $0x0  }
0x88: {  	[sflag:s14] =	ssyncadd.s32 $0xFFFFC180  }
0x89: {  	[spmem:s3] =	stream.indirect.scatter.add.f32 [tilespmem:s23], [sflag:$0x3], $0x10, s0, s18, $0xb8;
	[tilespmem:$0x161C0] =	vst v63  }
0x8a: {  	_ =	swait.ge [sflag:s14], $0xFA0  }
0x8b: {  	[sflag:s14] =	ssyncset.done $0x0  }
0x8c: {  	[sflag:s14] =	ssyncadd.s32 $0xFFFFF060  }
0x8d: {  	_ =	swait.ge [sflag:s22], $0x3E80  }
0x8e: {  	[sflag:s22] =	ssyncset.done $0x0  }
0x8f: {  	[sflag:s22] =	ssyncadd.s32 $0xFFFFC180  }
0x90: {  	[spmem:s2] =	stream.indirect.scatter.add.bf16 [tilespmem:s19], [sflag:$0x3], $0x40, s6, s18, $0xb8;
	[tilespmem:$0x161C0] =	vst v63  }
0x91: {  	_ =	swait.ge [sflag:s14], $0x3E80  }
0x92: {  	[sflag:s14] =	ssyncset.done $0x0  }
0x93: {  	[sflag:s14] =	ssyncadd.s32 $0xFFFFC180  }
0x94: {  	[spmem:s3] =	stream.indirect.scatter.add.f32 [tilespmem:s23], [sflag:$0x3], $0x10, s6, s18, $0xb8;
	[tilespmem:$0x161C0] =	vst v63  }
0x95: {  	_ =	swait.ge [sflag:s14], $0xFA0  }
0x96: {  	s24 =	simm.s32 $0x140;
	s8 =	simm.s32 $0xA0;
	[sflag:s14] =	ssyncset.done $0x0  }
.LBB2_8:
0x97: {  	s10 =	sadd.s32 s8, s12  }
0x98: {  	[sflag:s14] =	ssyncadd.s32 $0xFFFFF060;
	s7 =	smov.u32 s24;
	s25 =	sadd.s32 $0xA0, s24  }
0x99: {  	[tilespmem:s16], [sflag:$0x3] =	stream.linear.gather [hbm4b:s10+s4], $0x500, $0x38;
	[tilespmem:$0x161C0] =	vst v63  }
0x9a: {  	p0 =	sne.s32 s24, $0x460;
	_ =	swait.ge [sflag:s14], $0x500  }
0x9b: {  	[sflag:s14] =	ssyncset.done $0x0  }
0x9c: {  	s10 =	sadd.s32 s8, s11;
	s8 =	smov.u32 s7;
	[sflag:s14] =	ssyncadd.s32 $0xFFFFFB00  }
0x9d: {  	[tilespmem:s17], [sflag:$0x3] =	stream.linear.gather [hbm4b:s10+s4], $0x500, $0x38;
	[tilespmem:$0x161C0] =	vst v63  }
0x9e: {  	_ =	swait.ge [sflag:s14], $0x500  }
0x9f: {  	[sflag:s14] =	ssyncset.done $0x0  }
0xa0: {  	[sflag:s14] =	ssyncadd.s32 $0xFFFFFB00  }
0xa1: {  	[tilespmem:s19], [sflag:$0x1] =	stream.indirect.gather [hbm4b:s5+s18], $0x40, s16, s18, $0xb8;
	[tilespmem:$0x161C0] =	vst v63  }
0xa2: {  	_ = 	snop  }
0xa3: {  	[tilespmem:s21], [sflag:$0x2] =	stream.indirect.gather [hbm4b:s5+s18], $0x40, s20, s18, $0xb8;
	[tilespmem:$0x161C0] =	vst v63  }
0xa4: {  	_ =	swait.ge [sflag:s22], $0x3E80  }
0xa5: {  	[sflag:s22] =	ssyncset.done $0x0  }
0xa6: {  	[sflag:s22] =	ssyncadd.s32 $0xFFFFC180  }
0xa7: {  	[spmem:s2] =	stream.indirect.scatter.add.bf16 [tilespmem:s19], [sflag:$0x3], $0x40, s17, s18, $0xb8;
	[tilespmem:$0x161C0] =	vst v63  }
0xa8: {  	_ =	swait.ge [sflag:s14], $0x3E80  }
0xa9: {  	[sflag:s14] =	ssyncset.done $0x0  }
0xaa: {  	[sflag:s14] =	ssyncadd.s32 $0xFFFFC180  }
0xab: {  	[spmem:s3] =	stream.indirect.scatter.add.f32 [tilespmem:s23], [sflag:$0x3], $0x10, s17, s18, $0xb8;
	[tilespmem:$0x161C0] =	vst v63  }
0xac: {  	_ =	swait.ge [sflag:s14], $0xFA0  }
0xad: {  	[sflag:s14] =	ssyncset.done $0x0  }
0xae: {  	[sflag:s14] =	ssyncadd.s32 $0xFFFFF060  }
0xaf: {  	[tilespmem:s19], [sflag:$0x1] =	stream.indirect.gather [hbm4b:s5+s18], $0x40, s26, s18, $0xb8;
	[tilespmem:$0x161C0] =	vst v63  }
0xb0: {  	_ =	swait.ge [sflag:s28], $0x3E80  }
0xb1: {  	[sflag:s28] =	ssyncset.done $0x0  }
0xb2: {  	[sflag:s28] =	ssyncadd.s32 $0xFFFFC180  }
0xb3: {  	[spmem:s2] =	stream.indirect.scatter.add.bf16 [tilespmem:s21], [sflag:$0x3], $0x40, s29, s18, $0xb8;
	[tilespmem:$0x161C0] =	vst v63  }
0xb4: {  	_ =	swait.ge [sflag:s14], $0x3E80  }
0xb5: {  	[sflag:s14] =	ssyncset.done $0x0  }
0xb6: {  	[sflag:s14] =	ssyncadd.s32 $0xFFFFC180  }
0xb7: {  	[spmem:s3] =	stream.indirect.scatter.add.f32 [tilespmem:s23], [sflag:$0x3], $0x10, s29, s18, $0xb8;
	[tilespmem:$0x161C0] =	vst v63  }
0xb8: {  	_ =	swait.ge [sflag:s14], $0xFA0  }
0xb9: {  	[sflag:s14] =	ssyncset.done $0x0  }
0xba: {  	[sflag:s14] =	ssyncadd.s32 $0xFFFFF060  }
0xbb: {  	[tilespmem:s21], [sflag:$0x2] =	stream.indirect.gather [hbm4b:s5+s18], $0x40, s30, s18, $0xb8;
	[tilespmem:$0x161C0] =	vst v63  }
0xbc: {  	_ =	swait.ge [sflag:s22], $0x3E80  }
0xbd: {  	[sflag:s22] =	ssyncset.done $0x0  }
0xbe: {  	[sflag:s22] =	ssyncadd.s32 $0xFFFFC180  }
0xbf: {  	[spmem:s2] =	stream.indirect.scatter.add.bf16 [tilespmem:s19], [sflag:$0x3], $0x40, s31, s18, $0xb8;
	[tilespmem:$0x161C0] =	vst v63  }
0xc0: {  	_ =	swait.ge [sflag:s14], $0x3E80  }
0xc1: {  	[sflag:s14] =	ssyncset.done $0x0  }
0xc2: {  	[sflag:s14] =	ssyncadd.s32 $0xFFFFC180  }
0xc3: {  	[spmem:s3] =	stream.indirect.scatter.add.f32 [tilespmem:s23], [sflag:$0x3], $0x10, s31, s18, $0xb8;
	[tilespmem:$0x161C0] =	vst v63  }
0xc4: {  	_ =	swait.ge [sflag:s14], $0xFA0  }
0xc5: {  	[sflag:s14] =	ssyncset.done $0x0  }
0xc6: {  	[sflag:s14] =	ssyncadd.s32 $0xFFFFF060  }
0xc7: {  	[tilespmem:s19], [sflag:$0x1] =	stream.indirect.gather [hbm4b:s5+s18], $0x40, s1, s18, $0xb8;
	[tilespmem:$0x161C0] =	vst v63  }
0xc8: {  	_ =	swait.ge [sflag:s28], $0x3E80  }
0xc9: {  	[sflag:s28] =	ssyncset.done $0x0  }
0xca: {  	[sflag:s28] =	ssyncadd.s32 $0xFFFFC180  }
0xcb: {  	[spmem:s2] =	stream.indirect.scatter.add.bf16 [tilespmem:s21], [sflag:$0x3], $0x40, s0, s18, $0xb8;
	[tilespmem:$0x161C0] =	vst v63  }
0xcc: {  	_ =	swait.ge [sflag:s14], $0x3E80  }
0xcd: {  	[sflag:s14] =	ssyncset.done $0x0  }
0xce: {  	[sflag:s14] =	ssyncadd.s32 $0xFFFFC180  }
0xcf: {  	[spmem:s3] =	stream.indirect.scatter.add.f32 [tilespmem:s23], [sflag:$0x3], $0x10, s0, s18, $0xb8;
	[tilespmem:$0x161C0] =	vst v63  }
0xd0: {  	_ =	swait.ge [sflag:s14], $0xFA0  }
0xd1: {  	[sflag:s14] =	ssyncset.done $0x0  }
0xd2: {  	[sflag:s14] =	ssyncadd.s32 $0xFFFFF060  }
0xd3: {  	_ =	swait.ge [sflag:s22], $0x3E80  }
0xd4: {  	[sflag:s22] =	ssyncset.done $0x0  }
0xd5: {  	[sflag:s22] =	ssyncadd.s32 $0xFFFFC180  }
0xd6: {  	[spmem:s2] =	stream.indirect.scatter.add.bf16 [tilespmem:s19], [sflag:$0x3], $0x40, s6, s18, $0xb8;
	[tilespmem:$0x161C0] =	vst v63  }
0xd7: {  	_ =	swait.ge [sflag:s14], $0x3E80  }
.Ltmp3:
0xd8: {  	[sflag:s14] =	ssyncset.done $0x0;
	(pc) =	sbr.rel @p0 .LBB2_8-.Ltmp3, $4  }
0xd9: {  	[sflag:s14] =	ssyncadd.s32 $0xFFFFC180  }
0xda: {  	[spmem:s3] =	stream.indirect.scatter.add.f32 [tilespmem:s23], [sflag:$0x3], $0x10, s6, s18, $0xb8;
	[tilespmem:$0x161C0] =	vst v63  }
0xdb: {  	_ =	swait.ge [sflag:s14], $0xFA0  }
0xdc: {  	s24 =	smov.u32 s25;
	[sflag:s14] =	ssyncset.done $0x0  }
0xdd: {  	s7 =	sadd.s32 s8, s12;
	[sflag:s14] =	ssyncadd.s32 $0xFFFFF060  }
0xde: {  	[tilespmem:s16], [sflag:$0x3] =	stream.linear.gather [hbm4b:s7+s4], $0x500, $0x38;
	[tilespmem:$0x161C0] =	vst v63  }
0xdf: {  	_ =	swait.ge [sflag:s14], $0x500  }
0xe0: {  	[sflag:s14] =	ssyncset.done $0x0  }
0xe1: {  	s10 =	sadd.s32 s8, s11;
	[sflag:s14] =	ssyncadd.s32 $0xFFFFFB00  }
0xe2: {  	[tilespmem:s17], [sflag:$0x3] =	stream.linear.gather [hbm4b:s10+s4], $0x500, $0x38;
	[tilespmem:$0x161C0] =	vst v63  }
0xe3: {  	_ =	swait.ge [sflag:s14], $0x500  }
0xe4: {  	[sflag:s14] =	ssyncset.done $0x0  }
0xe5: {  	[sflag:s14] =	ssyncadd.s32 $0xFFFFFB00  }
0xe6: {  	[tilespmem:s19], [sflag:$0x1] =	stream.indirect.gather [hbm4b:s5+s18], $0x40, s16, s18, $0xb8;
	[tilespmem:$0x161C0] =	vst v63  }
0xe7: {  	_ = 	snop  }
0xe8: {  	[tilespmem:s21], [sflag:$0x2] =	stream.indirect.gather [hbm4b:s5+s18], $0x40, s20, s18, $0xb8;
	[tilespmem:$0x161C0] =	vst v63  }
0xe9: {  	_ =	swait.ge [sflag:s22], $0x3E80  }
0xea: {  	[sflag:s22] =	ssyncset.done $0x0  }
0xeb: {  	[sflag:s22] =	ssyncadd.s32 $0xFFFFC180  }
0xec: {  	[spmem:s2] =	stream.indirect.scatter.add.bf16 [tilespmem:s19], [sflag:$0x3], $0x40, s17, s18, $0xb8;
	[tilespmem:$0x161C0] =	vst v63  }
0xed: {  	_ =	swait.ge [sflag:s14], $0x3E80  }
0xee: {  	[sflag:s14] =	ssyncset.done $0x0  }
0xef: {  	[sflag:s14] =	ssyncadd.s32 $0xFFFFC180  }
0xf0: {  	[spmem:s3] =	stream.indirect.scatter.add.f32 [tilespmem:s23], [sflag:$0x3], $0x10, s17, s18, $0xb8;
	[tilespmem:$0x161C0] =	vst v63  }
0xf1: {  	_ =	swait.ge [sflag:s14], $0xFA0  }
0xf2: {  	[sflag:s14] =	ssyncset.done $0x0  }
0xf3: {  	[sflag:s14] =	ssyncadd.s32 $0xFFFFF060  }
0xf4: {  	[tilespmem:s19], [sflag:$0x1] =	stream.indirect.gather [hbm4b:s5+s18], $0x40, s26, s18, $0xb8;
	[tilespmem:$0x161C0] =	vst v63  }
0xf5: {  	_ =	swait.ge [sflag:s28], $0x3E80  }
0xf6: {  	[sflag:s28] =	ssyncset.done $0x0  }
0xf7: {  	[sflag:s28] =	ssyncadd.s32 $0xFFFFC180  }
0xf8: {  	[spmem:s2] =	stream.indirect.scatter.add.bf16 [tilespmem:s21], [sflag:$0x3], $0x40, s29, s18, $0xb8;
	[tilespmem:$0x161C0] =	vst v63  }
0xf9: {  	_ =	swait.ge [sflag:s14], $0x3E80  }
0xfa: {  	[sflag:s14] =	ssyncset.done $0x0  }
0xfb: {  	[sflag:s14] =	ssyncadd.s32 $0xFFFFC180  }
0xfc: {  	[spmem:s3] =	stream.indirect.scatter.add.f32 [tilespmem:s23], [sflag:$0x3], $0x10, s29, s18, $0xb8;
	[tilespmem:$0x161C0] =	vst v63  }
0xfd: {  	_ =	swait.ge [sflag:s14], $0xFA0  }
0xfe: {  	[sflag:s14] =	ssyncset.done $0x0  }
0xff: {  	[sflag:s14] =	ssyncadd.s32 $0xFFFFF060  }
0x100: {  	[tilespmem:s21], [sflag:$0x2] =	stream.indirect.gather [hbm4b:s5+s18], $0x40, s30, s18, $0xb8;
	[tilespmem:$0x161C0] =	vst v63  }
0x101: {  	_ =	swait.ge [sflag:s22], $0x3E80  }
0x102: {  	[sflag:s22] =	ssyncset.done $0x0  }
0x103: {  	[sflag:s22] =	ssyncadd.s32 $0xFFFFC180  }
0x104: {  	[spmem:s2] =	stream.indirect.scatter.add.bf16 [tilespmem:s19], [sflag:$0x3], $0x40, s31, s18, $0xb8;
	[tilespmem:$0x161C0] =	vst v63  }
0x105: {  	_ =	swait.ge [sflag:s14], $0x3E80  }
0x106: {  	[sflag:s14] =	ssyncset.done $0x0  }
0x107: {  	[sflag:s14] =	ssyncadd.s32 $0xFFFFC180  }
0x108: {  	[spmem:s3] =	stream.indirect.scatter.add.f32 [tilespmem:s23], [sflag:$0x3], $0x10, s31, s18, $0xb8;
	[tilespmem:$0x161C0] =	vst v63  }
0x109: {  	_ =	swait.ge [sflag:s14], $0xFA0  }
0x10a: {  	[sflag:s14] =	ssyncset.done $0x0  }
0x10b: {  	[sflag:s14] =	ssyncadd.s32 $0xFFFFF060  }
0x10c: {  	[tilespmem:s19], [sflag:$0x1] =	stream.indirect.gather [hbm4b:s5+s18], $0x40, s1, s18, $0xb8;
	[tilespmem:$0x161C0] =	vst v63  }
0x10d: {  	_ =	swait.ge [sflag:s28], $0x3E80  }
0x10e: {  	[sflag:s28] =	ssyncset.done $0x0  }
0x10f: {  	[sflag:s28] =	ssyncadd.s32 $0xFFFFC180  }
0x110: {  	[spmem:s2] =	stream.indirect.scatter.add.bf16 [tilespmem:s21], [sflag:$0x3], $0x40, s0, s18, $0xb8;
	[tilespmem:$0x161C0] =	vst v63  }
0x111: {  	_ =	swait.ge [sflag:s14], $0x3E80  }
0x112: {  	[sflag:s14] =	ssyncset.done $0x0  }
0x113: {  	[sflag:s14] =	ssyncadd.s32 $0xFFFFC180  }
0x114: {  	[spmem:s3] =	stream.indirect.scatter.add.f32 [tilespmem:s23], [sflag:$0x3], $0x10, s0, s18, $0xb8;
	[tilespmem:$0x161C0] =	vst v63  }
0x115: {  	_ =	swait.ge [sflag:s14], $0xFA0  }
0x116: {  	[sflag:s14] =	ssyncset.done $0x0  }
0x117: {  	[sflag:s14] =	ssyncadd.s32 $0xFFFFF060  }
0x118: {  	_ =	swait.ge [sflag:s22], $0x3E80  }
0x119: {  	[sflag:s22] =	ssyncset.done $0x0  }
0x11a: {  	[sflag:s22] =	ssyncadd.s32 $0xFFFFC180  }
0x11b: {  	[spmem:s2] =	stream.indirect.scatter.add.bf16 [tilespmem:s19], [sflag:$0x3], $0x40, s6, s18, $0xb8;
	[tilespmem:$0x161C0] =	vst v63  }
0x11c: {  	_ =	swait.ge [sflag:s14], $0x3E80  }
0x11d: {  	[sflag:s14] =	ssyncset.done $0x0  }
0x11e: {  	[sflag:s14] =	ssyncadd.s32 $0xFFFFC180  }
0x11f: {  	[spmem:s3] =	stream.indirect.scatter.add.f32 [tilespmem:s23], [sflag:$0x3], $0x10, s6, s18, $0xb8;
	[tilespmem:$0x161C0] =	vst v63  }
0x120: {  	_ =	swait.ge [sflag:s14], $0xFA0  }
0x121: {  	[sflag:s14] =	ssyncset.done $0x0  }
0x122: {  	[sflag:s14] =	ssyncadd.s32 $0xFFFFF060  }
0x123: {  	s24 =	stileid.u32;
	[bflag:$0x0] =	sbarrier.arrive $0xFFFF  }
0x124: {  	s7 =	sshll.u32 s24, $0x6;
	s25 =	rddreg [dreg:$0x5]  }
0x125: {  	s7 =	sor.u32 $0x1C03, s7;
	s10 =	rddreg [dreg:$0x9]  }
0x126: {  	[hbm:s25], [sflag:s7] =	dma.local [spmem:s10], $0x1388  }
0x127: {  	_ =	swait.ge [sflag:s14], $0x1388  }
0x128: {  	[sflag:s14] =	ssyncset.done $0x0;
	s24 =	rddreg [dreg:$0x6]  }
0x129: {  	s25 =	rddreg [dreg:$0xa];
	[sflag:s14] =	ssyncadd.s32 $0xFFFFEC78  }
0x12a: {  	[hbm:s24], [sflag:s7] =	dma.local [spmem:s25], $0x4E2  }
0x12b: {  	_ =	swait.ge [sflag:s14], $0x4E2  }
0x12c: {  	s24 =	rddreg [dreg:$0xb]  }
0x12d: {  	s25 =	rddreg [dreg:$0x7];
	s8 =	sadd.s32 $0x1, s24  }
0x12e: {  	p0 =	sne.s32 s8, s25  }
.Ltmp4:
0x12f: {  	_ = 	snop;
	(pc) =	sbr.rel @p0 .LBB2_1-.Ltmp4, $3  }
0x130: {  	_ =	sdelay $0x1  }
0x131: {  	[sflag:s14] =	ssyncset.done $0x0  }
0x132: {  	[sflag:s14] =	ssyncadd.s32 $0xFFFFFB1E  }
0x133: {  	_ =	sfence.sel $0x180000  }
0x134: {  	[bflag:$0x0] =	sbarrier.arrive $0xFFFF  }
0x135: {  	_ =	strace $0x90000047  }
0x136: {  	s0 =	stileid.u32;
	[bflag:$0x2] =	sbarrier.arrive $0xFFFF  }
0x137: {  	p0 =	sne.s32 s0, $0x0;
	s0 =	rddreg [dreg:$0x4]  }
0x138: {  	s0 =	sadd.s32 @!p0 $0x100000, s0  }
0x139: {  	[sflag:s0] =	ssyncadd.tile.s32 @!p0 $0x1;
	_ =	shalt  }
.Lfunc_end2:
_tile_overlayer_lowered:
.L_overlay_start_2:
0x13a: {  	(tag) =	ssettag $0x2  }
0x13b: {  	s0 =	rddreg [dreg:$0x0];
	s2 =	stileid.u32  }
0x13c: {  	s1 =	rddreg [dreg:$0x1];
	p0 =	sne.s32 s2, $0x0  }
0x13d: {  	s3 =	rddreg [dreg:$0x2];
	[bflag:$0x3] =	sbarrier.arrive $0xFFFF;
	s2 =	simm.s32 @!p0 $0x1C03  }
0x13e: {  	[timem:s3], [sflag:s2] =	dma.local @!p0 [hbm:s0], s1  }
0x13f: {  	s0 =	simm.s32 @!p0 $0x3  }
0x140: {  	_ =	swait.ge @!p0 [sflag:s0], s1  }
0x141: {  	s1 =	ssub.s32 @!p0 $0x0, s1;
	[sflag:s0] =	ssyncset.done @!p0 $0x0  }
0x142: {  	[sflag:s0] =	ssyncadd.s32 @!p0 s1  }
0x143: {  	[bflag:$0x3] =	sbarrier.arrive $0xFFFF  }
0x144: {  	_ =	shalt  }

</sc_bundles>
